<compile_context>
chip_gen: v7x
topology: tpu7x:2x2x1
jax: 0.10.2.dev20260603
libtpu: 0.0.44.dev20260713+nightly
codegen_flags: <defaults>
</compile_context>

<pallas_src>
import functools

import jax
import jax.numpy as jnp
from jax import lax
from jax.experimental import pallas as pl
from jax.experimental.pallas import tpu as pltpu
from jax.experimental.pallas import tpu_sc as plsc

B = 4096
D = 128
X = 100000
XPAD = 100352
BT = 256
XT = 2048
NT = XPAD // XT
G1 = 16
NB1 = XPAD // G1
NB1P = 56 * 128
G2 = 8
NB2 = NB1P // G2
K = 100
NEG = -jnp.inf
IBIG = 2**30


def _matmul_block(q_ref, e_ref, s_ref, m1_ref):
    j = pl.program_id(1)
    s = jnp.dot(q_ref[...], e_ref[...], preferred_element_type=jnp.float32)
    col = j * XT + jax.lax.broadcasted_iota(jnp.int32, (BT, XT), 1)
    s = jnp.where(col < X, s, NEG)
    s_ref[...] = s
    m1_ref[...] = jnp.max(s.reshape(BT, G1, 128), axis=1)


def _pop_body(p, carry, pay, lane):
    v, accv, acci = carry
    m = jnp.max(v, axis=1, keepdims=True)
    sel = v == m
    pid = jnp.min(jnp.where(sel, pay, IBIG), axis=1, keepdims=True)
    v = jnp.where(pay == pid, NEG, v)
    accv = jnp.where(lane == p, m, accv)
    acci = jnp.where(lane == p, pid, acci)
    return v, accv, acci


def _run_pops(v, pay, pops, vout_ref, iout_ref):
    lane = jax.lax.broadcasted_iota(jnp.int32, (BT, 128), 1)
    accv0 = jnp.full((BT, 128), NEG, jnp.float32)
    acci0 = jnp.full((BT, 128), -1, jnp.int32)
    body = functools.partial(_pop_body, pay=pay, lane=lane)
    _, accv, acci = jax.lax.fori_loop(0, pops, lambda p, c: body(p, c), (v, accv0, acci0))
    vout_ref[...] = accv
    iout_ref[...] = acci


def _popk_block(v_ref, p_ref, vout_ref, iout_ref, *, pops):
    _run_pops(v_ref[...], p_ref[...], pops, vout_ref, iout_ref)


def _popk(vals, payload, width, pops):
    return pl.pallas_call(
        functools.partial(_popk_block, pops=pops),
        grid=(B // BT,),
        in_specs=[
            pl.BlockSpec((BT, width), lambda i: (i, 0)),
            pl.BlockSpec((BT, width), lambda i: (i, 0)),
        ],
        out_specs=[
            pl.BlockSpec((BT, 128), lambda i: (i, 0)),
            pl.BlockSpec((BT, 128), lambda i: (i, 0)),
        ],
        out_shape=[
            jax.ShapeDtypeStruct((B, 128), jnp.float32),
            jax.ShapeDtypeStruct((B, 128), jnp.int32),
        ],
    )(vals, payload)


def _pop2_block(m1_ref, vout_ref, iout_ref, *, pops):
    m1 = m1_ref[...]
    m1p = jnp.concatenate(
        [m1, jnp.full((BT, NB1P - NB1), NEG, jnp.float32)], axis=1)
    m2 = jnp.max(m1p.reshape(BT, G2, NB2), axis=1)
    m2 = jnp.concatenate(
        [m2, jnp.full((BT, 1024 - NB2), NEG, jnp.float32)], axis=1)
    pay = jax.lax.broadcasted_iota(jnp.int32, (BT, 1024), 1)
    _run_pops(m2, pay, pops, vout_ref, iout_ref)


def kernel(query_embeddings, item_embeddings_t, ids, k):
    e_pad = jnp.pad(item_embeddings_t, ((0, 0), (0, XPAD - X)))
    scores, m1 = pl.pallas_call(
        _matmul_block,
        grid=(B // BT, NT),
        in_specs=[
            pl.BlockSpec((BT, D), lambda i, j: (i, 0)),
            pl.BlockSpec((D, XT), lambda i, j: (0, j)),
        ],
        out_specs=[
            pl.BlockSpec((BT, XT), lambda i, j: (i, j)),
            pl.BlockSpec((BT, 128), lambda i, j: (i, j)),
        ],
        out_shape=[
            jax.ShapeDtypeStruct((B, XPAD), jnp.float32),
            jax.ShapeDtypeStruct((B, NB1), jnp.float32),
        ],
        compiler_params=pltpu.CompilerParams(
            dimension_semantics=("parallel", "arbitrary"),
        ),
    )(query_embeddings, e_pad)

    _, bids2 = pl.pallas_call(
        functools.partial(_pop2_block, pops=K),
        grid=(B // BT,),
        in_specs=[pl.BlockSpec((BT, NB1), lambda i: (i, 0))],
        out_specs=[
            pl.BlockSpec((BT, 128), lambda i: (i, 0)),
            pl.BlockSpec((BT, 128), lambda i: (i, 0)),
        ],
        out_shape=[
            jax.ShapeDtypeStruct((B, 128), jnp.float32),
            jax.ShapeDtypeStruct((B, 128), jnp.int32),
        ],
    )(m1)
    bids2 = bids2[:, :K]

    m1p = jnp.pad(m1, ((0, 0), (0, NB1P - NB1)), constant_values=NEG)
    i1 = (bids2[:, :, None]
          + (NB2 * jnp.arange(G2, dtype=jnp.int32))[None, None, :]).reshape(B, K * G2)
    c1 = jnp.take_along_axis(m1p, i1, axis=1)
    c1 = jnp.concatenate(
        [c1, jnp.full((B, 1024 - K * G2), NEG, jnp.float32)], axis=1)
    i1 = jnp.concatenate(
        [i1, jnp.full((B, 1024 - K * G2), IBIG, jnp.int32)], axis=1)

    _, bids1 = _popk(c1, i1, 1024, K)
    bids1 = bids1[:, :K]

    base = (bids1 // 128) * XT + (bids1 % 128)
    i0 = (base[:, :, None]
          + (128 * jnp.arange(G1, dtype=jnp.int32))[None, None, :]).reshape(B, K * G1)
    c0 = jnp.take_along_axis(scores, i0, axis=1)
    c0 = jnp.concatenate(
        [c0, jnp.full((B, 1664 - K * G1), NEG, jnp.float32)], axis=1)
    i0 = jnp.concatenate(
        [i0, jnp.full((B, 1664 - K * G1), IBIG, jnp.int32)], axis=1)

    svals, scols = _popk(c0, i0, 1664, K)
    top_scores = svals[:, :K]
    top_cols = scols[:, :K]
    tab = jnp.pad(ids, ((0, 0), (0, XPAD - X))).reshape(XPAD // 128, 128)
    rows = _sc_row_gather(tab, (top_cols // 128).reshape(B * K))
    lane_sel = (jnp.arange(128, dtype=jnp.int32)[None, None, :]
                == (top_cols % 128)[:, :, None])
    top_ids = jnp.sum(jnp.where(lane_sel, rows.reshape(B, K, 128), 0),
                      axis=2, dtype=jnp.int32)
    return top_ids, top_scores


def _sc_row_gather(table, ridx):
    n = ridx.shape[0]
    info = plsc.get_sparse_core_info()
    nw = info.num_cores * info.num_subcores
    b_per_w = n // nw
    assert b_per_w * nw == n
    chunk = 800
    n_chunks = b_per_w // chunk
    assert n_chunks * chunk == b_per_w
    mesh = plsc.VectorSubcoreMesh(core_axis_name="c", subcore_axis_name="s")

    @functools.partial(
        pl.kernel, mesh=mesh,
        out_type=jax.ShapeDtypeStruct((n, 128), jnp.int32),
        scratch_types=[
            pltpu.VMEM((chunk,), jnp.int32),
            pltpu.VMEM((chunk, 128), jnp.int32),
            pltpu.SemaphoreType.DMA,
        ],
    )
    def k(table_hbm, idx_hbm, out_hbm, idx_v, rows_v, sem):
        wid = lax.axis_index("s") * info.num_cores + lax.axis_index("c")
        for c in range(n_chunks):
            base = wid * b_per_w + c * chunk
            pltpu.sync_copy(idx_hbm.at[pl.ds(base, chunk)], idx_v)
            pltpu.async_copy(table_hbm.at[idx_v], rows_v, sem).wait()
            pltpu.sync_copy(rows_v, out_hbm.at[pl.ds(base, chunk)])

    return k(table, ridx)

# --- scband reference (transcript-rebuilt; emitter-appended) ---
"""Pipeline reference for scband-candidate-index-74594991997472 (READ-ONLY COPY).

The authoritative reference and input builder live on the scoring server;
editing this copy changes nothing except your own understanding.
"""

import jax, jax.numpy as jnp
import numpy as np


def setup_inputs(seed: int = 0) -> dict:
    key = jax.random.key(seed)
    kq, ke = jax.random.split(key)
    query_embeddings = jax.random.normal(kq, (4096, 128), dtype=jnp.float32)
    # item embeddings stored transposed as in CandidateIndex.update_embeddings: [D, X]
    item_embeddings_t = jax.random.normal(ke, (128, 100000), dtype=jnp.float32)
    ids = jnp.arange(100000, dtype=jnp.int32).reshape(1, 100000)
    return {
        "query_embeddings": query_embeddings,
        "item_embeddings_t": item_embeddings_t,
        "ids": ids,
        "k": 100,
    }


def reference(query_embeddings, item_embeddings_t, ids, k):
    # CandidateIndex.get_top_k_outputs with invalid_ids=None:
    #   k_prime = min(k + 0, num_objects) = k
    #   top_k_module: brute-force MIPS -> scores = q @ emb_t, then top-k (sorted)
    scores = query_embeddings @ item_embeddings_t  # [B, X]
    scores = scores + (k - k)
    k_static = 100
    top_k_scores, top_k_indices = jax.lax.top_k(scores, k_static)  # sorted descending, [B, k]
    # map row offsets back to item ids (item_ids is [1, X])
    top_k_ids = jnp.take(ids[0], top_k_indices, axis=0)  # [B, k]
    return top_k_ids, top_k_scores

if __name__ == "__main__":
    import jax
    _d = setup_inputs()
    print(jax.jit(kernel)(*tuple(_d.values())))

</pallas_src>

<mosaic_0001>
#map = affine_map<(d0, d1) -> (0, 0)>
#map1 = affine_map<(d0, d1) -> (0)>
module attributes {stable_mosaic.version = 14 : i64} {
  func.func @k(%arg0: i32, %arg1: i32, %arg2: memref<784x128xi32, #tpu.memory_space<hbm>>, %arg3: memref<409600xi32, #tpu.memory_space<hbm>>, %arg4: memref<409600x128xi32, #tpu.memory_space<hbm>>, %arg5: memref<800xi32, #tpu.memory_space<vmem>>, %arg6: memref<800x128xi32, #tpu.memory_space<vmem>>, %arg7: memref<!tpu.dma_semaphore, #tpu.memory_space<semaphore_mem>>) attributes {dimension_semantics = [#tpu.dimension_semantics<core_parallel>, #tpu.dimension_semantics<subcore_parallel>], iteration_bounds = array<i64: 2, 16>, scalar_prefetch = 0 : i64, scratch_operands = 3 : i64, tpu.core_type = #tpu.core_type<sc_vector_subcore>, window_params = [{transform_indices = #map}, {transform_indices = #map1}, {transform_indices = #map}]} {
    %mul3A = arith.constant 2 : i32
    %mul3A_0 = arith.muli %arg1, %mul3A : i32
    %add3A = arith.addi %mul3A_0, %arg0 : i32
    %mul3A_1 = arith.constant 12800 : i32
    %mul3A_2 = arith.muli %add3A, %mul3A_1 : i32
    %add3A_3 = arith.constant 0 : i32
    %add3A_4 = arith.addi %mul3A_2, %add3A_3 : i32
    "tpu.region"() ({
      %run_scoped3A = tpu.sem_alloc : memref<!tpu.dma_semaphore, #tpu.memory_space<semaphore_mem>>
      %dma_start3A_159 = tpu.memref_slice %arg3[%add3A_4] : memref<409600xi32, #tpu.memory_space<hbm>> -> memref<800xi32, #tpu.memory_space<hbm>>
      %dma_start3A_160 = tpu.memref_slice %arg3[%add3A_4] : memref<409600xi32, #tpu.memory_space<hbm>> -> memref<800xi32, #tpu.memory_space<hbm>>
      tpu.enqueue_dma source(%dma_start3A_160 : memref<800xi32, #tpu.memory_space<hbm>>) target(%arg5 : memref<800xi32, #tpu.memory_space<vmem>>) target_semaphore(%run_scoped3A : memref<!tpu.dma_semaphore, #tpu.memory_space<semaphore_mem>>)
      %dma_wait3A_161 = tpu.memref_slice %arg3[%add3A_4] : memref<409600xi32, #tpu.memory_space<hbm>> -> memref<800xi32, #tpu.memory_space<hbm>>
      %dma_wait3A_162 = tpu.memref_slice %arg3[%add3A_4] : memref<409600xi32, #tpu.memory_space<hbm>> -> memref<800xi32, #tpu.memory_space<hbm>>
      tpu.wait_dma2 semaphore(%run_scoped3A : memref<!tpu.dma_semaphore, #tpu.memory_space<semaphore_mem>>) src(%dma_wait3A_162 : memref<800xi32, #tpu.memory_space<hbm>>) dst(%arg5 : memref<800xi32, #tpu.memory_space<vmem>>)
      tpu.yield
    }) : () -> ()
    %dma_start3A = arith.constant 0 : i32
    %dma_start3A_5 = arith.constant 0 : i32
    %dma_start3A_6 = tpu.memref_slice %arg2[%dma_start3A, %dma_start3A_5] : memref<784x128xi32, #tpu.memory_space<hbm>> -> memref<784x128xi32, #tpu.memory_space<hbm>>
    tpu.enqueue_indirect_dma source(%dma_start3A_6 : memref<784x128xi32, #tpu.memory_space<hbm>>) target(%arg6 : memref<800x128xi32, #tpu.memory_space<vmem>>) offsets(%arg5 : memref<800xi32, #tpu.memory_space<vmem>>) semaphore(%arg7 : memref<!tpu.dma_semaphore, #tpu.memory_space<semaphore_mem>>)
    %dma_wait3A = arith.constant 0 : i32
    %dma_wait3A_7 = arith.constant 0 : i32
    %dma_wait3A_8 = tpu.memref_slice %arg2[%dma_wait3A, %dma_wait3A_7] : memref<784x128xi32, #tpu.memory_space<hbm>> -> memref<784x128xi32, #tpu.memory_space<hbm>>
    tpu.wait_indirect_dma semaphore(%arg7 : memref<!tpu.dma_semaphore, #tpu.memory_space<semaphore_mem>>) src(%dma_wait3A_8 : memref<784x128xi32, #tpu.memory_space<hbm>>) dst(%arg6 : memref<800x128xi32, #tpu.memory_space<vmem>>)
    "tpu.region"() ({
      %run_scoped3A = tpu.sem_alloc : memref<!tpu.dma_semaphore, #tpu.memory_space<semaphore_mem>>
      %dma_start3A_159 = arith.constant 0 : i32
      %dma_start3A_160 = tpu.memref_slice %arg4[%add3A_4, %dma_start3A_159] : memref<409600x128xi32, #tpu.memory_space<hbm>> -> memref<800x128xi32, #tpu.memory_space<hbm>>
      %dma_start3A_161 = arith.constant 0 : i32
      %dma_start3A_162 = tpu.memref_slice %arg4[%add3A_4, %dma_start3A_161] : memref<409600x128xi32, #tpu.memory_space<hbm>> -> memref<800x128xi32, #tpu.memory_space<hbm>>
      tpu.enqueue_dma source(%arg6 : memref<800x128xi32, #tpu.memory_space<vmem>>) target(%dma_start3A_162 : memref<800x128xi32, #tpu.memory_space<hbm>>) target_semaphore(%run_scoped3A : memref<!tpu.dma_semaphore, #tpu.memory_space<semaphore_mem>>)
      %dma_wait3A_163 = arith.constant 0 : i32
      %dma_wait3A_164 = tpu.memref_slice %arg4[%add3A_4, %dma_wait3A_163] : memref<409600x128xi32, #tpu.memory_space<hbm>> -> memref<800x128xi32, #tpu.memory_space<hbm>>
      %dma_wait3A_165 = arith.constant 0 : i32
      %dma_wait3A_166 = tpu.memref_slice %arg4[%add3A_4, %dma_wait3A_165] : memref<409600x128xi32, #tpu.memory_space<hbm>> -> memref<800x128xi32, #tpu.memory_space<hbm>>
      tpu.wait_dma2 semaphore(%run_scoped3A : memref<!tpu.dma_semaphore, #tpu.memory_space<semaphore_mem>>) src(%arg6 : memref<800x128xi32, #tpu.memory_space<vmem>>) dst(%dma_wait3A_166 : memref<800x128xi32, #tpu.memory_space<hbm>>)
      tpu.yield
    }) : () -> ()
    %mul3A_9 = arith.constant 12800 : i32
    %mul3A_10 = arith.muli %add3A, %mul3A_9 : i32
    %add3A_11 = arith.constant 800 : i32
    %add3A_12 = arith.addi %mul3A_10, %add3A_11 : i32
    "tpu.region"() ({
      %run_scoped3A = tpu.sem_alloc : memref<!tpu.dma_semaphore, #tpu.memory_space<semaphore_mem>>
      %dma_start3A_159 = tpu.memref_slice %arg3[%add3A_12] : memref<409600xi32, #tpu.memory_space<hbm>> -> memref<800xi32, #tpu.memory_space<hbm>>
      %dma_start3A_160 = tpu.memref_slice %arg3[%add3A_12] : memref<409600xi32, #tpu.memory_space<hbm>> -> memref<800xi32, #tpu.memory_space<hbm>>
      tpu.enqueue_dma source(%dma_start3A_160 : memref<800xi32, #tpu.memory_space<hbm>>) target(%arg5 : memref<800xi32, #tpu.memory_space<vmem>>) target_semaphore(%run_scoped3A : memref<!tpu.dma_semaphore, #tpu.memory_space<semaphore_mem>>)
      %dma_wait3A_161 = tpu.memref_slice %arg3[%add3A_12] : memref<409600xi32, #tpu.memory_space<hbm>> -> memref<800xi32, #tpu.memory_space<hbm>>
      %dma_wait3A_162 = tpu.memref_slice %arg3[%add3A_12] : memref<409600xi32, #tpu.memory_space<hbm>> -> memref<800xi32, #tpu.memory_space<hbm>>
      tpu.wait_dma2 semaphore(%run_scoped3A : memref<!tpu.dma_semaphore, #tpu.memory_space<semaphore_mem>>) src(%dma_wait3A_162 : memref<800xi32, #tpu.memory_space<hbm>>) dst(%arg5 : memref<800xi32, #tpu.memory_space<vmem>>)
      tpu.yield
    }) : () -> ()
    %dma_start3A_13 = arith.constant 0 : i32
    %dma_start3A_14 = arith.constant 0 : i32
    %dma_start3A_15 = tpu.memref_slice %arg2[%dma_start3A_13, %dma_start3A_14] : memref<784x128xi32, #tpu.memory_space<hbm>> -> memref<784x128xi32, #tpu.memory_space<hbm>>
    tpu.enqueue_indirect_dma source(%dma_start3A_15 : memref<784x128xi32, #tpu.memory_space<hbm>>) target(%arg6 : memref<800x128xi32, #tpu.memory_space<vmem>>) offsets(%arg5 : memref<800xi32, #tpu.memory_space<vmem>>) semaphore(%arg7 : memref<!tpu.dma_semaphore, #tpu.memory_space<semaphore_mem>>)
    %dma_wait3A_16 = arith.constant 0 : i32
    %dma_wait3A_17 = arith.constant 0 : i32
    %dma_wait3A_18 = tpu.memref_slice %arg2[%dma_wait3A_16, %dma_wait3A_17] : memref<784x128xi32, #tpu.memory_space<hbm>> -> memref<784x128xi32, #tpu.memory_space<hbm>>
    tpu.wait_indirect_dma semaphore(%arg7 : memref<!tpu.dma_semaphore, #tpu.memory_space<semaphore_mem>>) src(%dma_wait3A_18 : memref<784x128xi32, #tpu.memory_space<hbm>>) dst(%arg6 : memref<800x128xi32, #tpu.memory_space<vmem>>)
    "tpu.region"() ({
      %run_scoped3A = tpu.sem_alloc : memref<!tpu.dma_semaphore, #tpu.memory_space<semaphore_mem>>
      %dma_start3A_159 = arith.constant 0 : i32
      %dma_start3A_160 = tpu.memref_slice %arg4[%add3A_12, %dma_start3A_159] : memref<409600x128xi32, #tpu.memory_space<hbm>> -> memref<800x128xi32, #tpu.memory_space<hbm>>
      %dma_start3A_161 = arith.constant 0 : i32
      %dma_start3A_162 = tpu.memref_slice %arg4[%add3A_12, %dma_start3A_161] : memref<409600x128xi32, #tpu.memory_space<hbm>> -> memref<800x128xi32, #tpu.memory_space<hbm>>
      tpu.enqueue_dma source(%arg6 : memref<800x128xi32, #tpu.memory_space<vmem>>) target(%dma_start3A_162 : memref<800x128xi32, #tpu.memory_space<hbm>>) target_semaphore(%run_scoped3A : memref<!tpu.dma_semaphore, #tpu.memory_space<semaphore_mem>>)
      %dma_wait3A_163 = arith.constant 0 : i32
      %dma_wait3A_164 = tpu.memref_slice %arg4[%add3A_12, %dma_wait3A_163] : memref<409600x128xi32, #tpu.memory_space<hbm>> -> memref<800x128xi32, #tpu.memory_space<hbm>>
      %dma_wait3A_165 = arith.constant 0 : i32
      %dma_wait3A_166 = tpu.memref_slice %arg4[%add3A_12, %dma_wait3A_165] : memref<409600x128xi32, #tpu.memory_space<hbm>> -> memref<800x128xi32, #tpu.memory_space<hbm>>
      tpu.wait_dma2 semaphore(%run_scoped3A : memref<!tpu.dma_semaphore, #tpu.memory_space<semaphore_mem>>) src(%arg6 : memref<800x128xi32, #tpu.memory_space<vmem>>) dst(%dma_wait3A_166 : memref<800x128xi32, #tpu.memory_space<hbm>>)
      tpu.yield
    }) : () -> ()
    %mul3A_19 = arith.constant 12800 : i32
    %mul3A_20 = arith.muli %add3A, %mul3A_19 : i32
    %add3A_21 = arith.constant 1600 : i32
    %add3A_22 = arith.addi %mul3A_20, %add3A_21 : i32
    "tpu.region"() ({
      %run_scoped3A = tpu.sem_alloc : memref<!tpu.dma_semaphore, #tpu.memory_space<semaphore_mem>>
      %dma_start3A_159 = tpu.memref_slice %arg3[%add3A_22] : memref<409600xi32, #tpu.memory_space<hbm>> -> memref<800xi32, #tpu.memory_space<hbm>>
      %dma_start3A_160 = tpu.memref_slice %arg3[%add3A_22] : memref<409600xi32, #tpu.memory_space<hbm>> -> memref<800xi32, #tpu.memory_space<hbm>>
      tpu.enqueue_dma source(%dma_start3A_160 : memref<800xi32, #tpu.memory_space<hbm>>) target(%arg5 : memref<800xi32, #tpu.memory_space<vmem>>) target_semaphore(%run_scoped3A : memref<!tpu.dma_semaphore, #tpu.memory_space<semaphore_mem>>)
      %dma_wait3A_161 = tpu.memref_slice %arg3[%add3A_22] : memref<409600xi32, #tpu.memory_space<hbm>> -> memref<800xi32, #tpu.memory_space<hbm>>
      %dma_wait3A_162 = tpu.memref_slice %arg3[%add3A_22] : memref<409600xi32, #tpu.memory_space<hbm>> -> memref<800xi32, #tpu.memory_space<hbm>>
      tpu.wait_dma2 semaphore(%run_scoped3A : memref<!tpu.dma_semaphore, #tpu.memory_space<semaphore_mem>>) src(%dma_wait3A_162 : memref<800xi32, #tpu.memory_space<hbm>>) dst(%arg5 : memref<800xi32, #tpu.memory_space<vmem>>)
      tpu.yield
    }) : () -> ()
    %dma_start3A_23 = arith.constant 0 : i32
    %dma_start3A_24 = arith.constant 0 : i32
    %dma_start3A_25 = tpu.memref_slice %arg2[%dma_start3A_23, %dma_start3A_24] : memref<784x128xi32, #tpu.memory_space<hbm>> -> memref<784x128xi32, #tpu.memory_space<hbm>>
    tpu.enqueue_indirect_dma source(%dma_start3A_25 : memref<784x128xi32, #tpu.memory_space<hbm>>) target(%arg6 : memref<800x128xi32, #tpu.memory_space<vmem>>) offsets(%arg5 : memref<800xi32, #tpu.memory_space<vmem>>) semaphore(%arg7 : memref<!tpu.dma_semaphore, #tpu.memory_space<semaphore_mem>>)
    %dma_wait3A_26 = arith.constant 0 : i32
    %dma_wait3A_27 = arith.constant 0 : i32
    %dma_wait3A_28 = tpu.memref_slice %arg2[%dma_wait3A_26, %dma_wait3A_27] : memref<784x128xi32, #tpu.memory_space<hbm>> -> memref<784x128xi32, #tpu.memory_space<hbm>>
    tpu.wait_indirect_dma semaphore(%arg7 : memref<!tpu.dma_semaphore, #tpu.memory_space<semaphore_mem>>) src(%dma_wait3A_28 : memref<784x128xi32, #tpu.memory_space<hbm>>) dst(%arg6 : memref<800x128xi32, #tpu.memory_space<vmem>>)
    "tpu.region"() ({
      %run_scoped3A = tpu.sem_alloc : memref<!tpu.dma_semaphore, #tpu.memory_space<semaphore_mem>>
      %dma_start3A_159 = arith.constant 0 : i32
      %dma_start3A_160 = tpu.memref_slice %arg4[%add3A_22, %dma_start3A_159] : memref<409600x128xi32, #tpu.memory_space<hbm>> -> memref<800x128xi32, #tpu.memory_space<hbm>>
      %dma_start3A_161 = arith.constant 0 : i32
      %dma_start3A_162 = tpu.memref_slice %arg4[%add3A_22, %dma_start3A_161] : memref<409600x128xi32, #tpu.memory_space<hbm>> -> memref<800x128xi32, #tpu.memory_space<hbm>>
      tpu.enqueue_dma source(%arg6 : memref<800x128xi32, #tpu.memory_space<vmem>>) target(%dma_start3A_162 : memref<800x128xi32, #tpu.memory_space<hbm>>) target_semaphore(%run_scoped3A : memref<!tpu.dma_semaphore, #tpu.memory_space<semaphore_mem>>)
      %dma_wait3A_163 = arith.constant 0 : i32
      %dma_wait3A_164 = tpu.memref_slice %arg4[%add3A_22, %dma_wait3A_163] : memref<409600x128xi32, #tpu.memory_space<hbm>> -> memref<800x128xi32, #tpu.memory_space<hbm>>
      %dma_wait3A_165 = arith.constant 0 : i32
      %dma_wait3A_166 = tpu.memref_slice %arg4[%add3A_22, %dma_wait3A_165] : memref<409600x128xi32, #tpu.memory_space<hbm>> -> memref<800x128xi32, #tpu.memory_space<hbm>>
      tpu.wait_dma2 semaphore(%run_scoped3A : memref<!tpu.dma_semaphore, #tpu.memory_space<semaphore_mem>>) src(%arg6 : memref<800x128xi32, #tpu.memory_space<vmem>>) dst(%dma_wait3A_166 : memref<800x128xi32, #tpu.memory_space<hbm>>)
      tpu.yield
    }) : () -> ()
    %mul3A_29 = arith.constant 12800 : i32
    %mul3A_30 = arith.muli %add3A, %mul3A_29 : i32
    %add3A_31 = arith.constant 2400 : i32
    %add3A_32 = arith.addi %mul3A_30, %add3A_31 : i32
    "tpu.region"() ({
      %run_scoped3A = tpu.sem_alloc : memref<!tpu.dma_semaphore, #tpu.memory_space<semaphore_mem>>
      %dma_start3A_159 = tpu.memref_slice %arg3[%add3A_32] : memref<409600xi32, #tpu.memory_space<hbm>> -> memref<800xi32, #tpu.memory_space<hbm>>
      %dma_start3A_160 = tpu.memref_slice %arg3[%add3A_32] : memref<409600xi32, #tpu.memory_space<hbm>> -> memref<800xi32, #tpu.memory_space<hbm>>
      tpu.enqueue_dma source(%dma_start3A_160 : memref<800xi32, #tpu.memory_space<hbm>>) target(%arg5 : memref<800xi32, #tpu.memory_space<vmem>>) target_semaphore(%run_scoped3A : memref<!tpu.dma_semaphore, #tpu.memory_space<semaphore_mem>>)
      %dma_wait3A_161 = tpu.memref_slice %arg3[%add3A_32] : memref<409600xi32, #tpu.memory_space<hbm>> -> memref<800xi32, #tpu.memory_space<hbm>>
      %dma_wait3A_162 = tpu.memref_slice %arg3[%add3A_32] : memref<409600xi32, #tpu.memory_space<hbm>> -> memref<800xi32, #tpu.memory_space<hbm>>
      tpu.wait_dma2 semaphore(%run_scoped3A : memref<!tpu.dma_semaphore, #tpu.memory_space<semaphore_mem>>) src(%dma_wait3A_162 : memref<800xi32, #tpu.memory_space<hbm>>) dst(%arg5 : memref<800xi32, #tpu.memory_space<vmem>>)
      tpu.yield
    }) : () -> ()
    %dma_start3A_33 = arith.constant 0 : i32
    %dma_start3A_34 = arith.constant 0 : i32
    %dma_start3A_35 = tpu.memref_slice %arg2[%dma_start3A_33, %dma_start3A_34] : memref<784x128xi32, #tpu.memory_space<hbm>> -> memref<784x128xi32, #tpu.memory_space<hbm>>
    tpu.enqueue_indirect_dma source(%dma_start3A_35 : memref<784x128xi32, #tpu.memory_space<hbm>>) target(%arg6 : memref<800x128xi32, #tpu.memory_space<vmem>>) offsets(%arg5 : memref<800xi32, #tpu.memory_space<vmem>>) semaphore(%arg7 : memref<!tpu.dma_semaphore, #tpu.memory_space<semaphore_mem>>)
    %dma_wait3A_36 = arith.constant 0 : i32
    %dma_wait3A_37 = arith.constant 0 : i32
    %dma_wait3A_38 = tpu.memref_slice %arg2[%dma_wait3A_36, %dma_wait3A_37] : memref<784x128xi32, #tpu.memory_space<hbm>> -> memref<784x128xi32, #tpu.memory_space<hbm>>
    tpu.wait_indirect_dma semaphore(%arg7 : memref<!tpu.dma_semaphore, #tpu.memory_space<semaphore_mem>>) src(%dma_wait3A_38 : memref<784x128xi32, #tpu.memory_space<hbm>>) dst(%arg6 : memref<800x128xi32, #tpu.memory_space<vmem>>)
    "tpu.region"() ({
      %run_scoped3A = tpu.sem_alloc : memref<!tpu.dma_semaphore, #tpu.memory_space<semaphore_mem>>
      %dma_start3A_159 = arith.constant 0 : i32
      %dma_start3A_160 = tpu.memref_slice %arg4[%add3A_32, %dma_start3A_159] : memref<409600x128xi32, #tpu.memory_space<hbm>> -> memref<800x128xi32, #tpu.memory_space<hbm>>
      %dma_start3A_161 = arith.constant 0 : i32
      %dma_start3A_162 = tpu.memref_slice %arg4[%add3A_32, %dma_start3A_161] : memref<409600x128xi32, #tpu.memory_space<hbm>> -> memref<800x128xi32, #tpu.memory_space<hbm>>
      tpu.enqueue_dma source(%arg6 : memref<800x128xi32, #tpu.memory_space<vmem>>) target(%dma_start3A_162 : memref<800x128xi32, #tpu.memory_space<hbm>>) target_semaphore(%run_scoped3A : memref<!tpu.dma_semaphore, #tpu.memory_space<semaphore_mem>>)
      %dma_wait3A_163 = arith.constant 0 : i32
      %dma_wait3A_164 = tpu.memref_slice %arg4[%add3A_32, %dma_wait3A_163] : memref<409600x128xi32, #tpu.memory_space<hbm>> -> memref<800x128xi32, #tpu.memory_space<hbm>>
      %dma_wait3A_165 = arith.constant 0 : i32
      %dma_wait3A_166 = tpu.memref_slice %arg4[%add3A_32, %dma_wait3A_165] : memref<409600x128xi32, #tpu.memory_space<hbm>> -> memref<800x128xi32, #tpu.memory_space<hbm>>
      tpu.wait_dma2 semaphore(%run_scoped3A : memref<!tpu.dma_semaphore, #tpu.memory_space<semaphore_mem>>) src(%arg6 : memref<800x128xi32, #tpu.memory_space<vmem>>) dst(%dma_wait3A_166 : memref<800x128xi32, #tpu.memory_space<hbm>>)
      tpu.yield
    }) : () -> ()
    %mul3A_39 = arith.constant 12800 : i32
    %mul3A_40 = arith.muli %add3A, %mul3A_39 : i32
    %add3A_41 = arith.constant 3200 : i32
    %add3A_42 = arith.addi %mul3A_40, %add3A_41 : i32
    "tpu.region"() ({
      %run_scoped3A = tpu.sem_alloc : memref<!tpu.dma_semaphore, #tpu.memory_space<semaphore_mem>>
      %dma_start3A_159 = tpu.memref_slice %arg3[%add3A_42] : memref<409600xi32, #tpu.memory_space<hbm>> -> memref<800xi32, #tpu.memory_space<hbm>>
      %dma_start3A_160 = tpu.memref_slice %arg3[%add3A_42] : memref<409600xi32, #tpu.memory_space<hbm>> -> memref<800xi32, #tpu.memory_space<hbm>>
      tpu.enqueue_dma source(%dma_start3A_160 : memref<800xi32, #tpu.memory_space<hbm>>) target(%arg5 : memref<800xi32, #tpu.memory_space<vmem>>) target_semaphore(%run_scoped3A : memref<!tpu.dma_semaphore, #tpu.memory_space<semaphore_mem>>)
      %dma_wait3A_161 = tpu.memref_slice %arg3[%add3A_42] : memref<409600xi32, #tpu.memory_space<hbm>> -> memref<800xi32, #tpu.memory_space<hbm>>
      %dma_wait3A_162 = tpu.memref_slice %arg3[%add3A_42] : memref<409600xi32, #tpu.memory_space<hbm>> -> memref<800xi32, #tpu.memory_space<hbm>>
      tpu.wait_dma2 semaphore(%run_scoped3A : memref<!tpu.dma_semaphore, #tpu.memory_space<semaphore_mem>>) src(%dma_wait3A_162 : memref<800xi32, #tpu.memory_space<hbm>>) dst(%arg5 : memref<800xi32, #tpu.memory_space<vmem>>)
      tpu.yield
    }) : () -> ()
    %dma_start3A_43 = arith.constant 0 : i32
    %dma_start3A_44 = arith.constant 0 : i32
    %dma_start3A_45 = tpu.memref_slice %arg2[%dma_start3A_43, %dma_start3A_44] : memref<784x128xi32, #tpu.memory_space<hbm>> -> memref<784x128xi32, #tpu.memory_space<hbm>>
    tpu.enqueue_indirect_dma source(%dma_start3A_45 : memref<784x128xi32, #tpu.memory_space<hbm>>) target(%arg6 : memref<800x128xi32, #tpu.memory_space<vmem>>) offsets(%arg5 : memref<800xi32, #tpu.memory_space<vmem>>) semaphore(%arg7 : memref<!tpu.dma_semaphore, #tpu.memory_space<semaphore_mem>>)
    %dma_wait3A_46 = arith.constant 0 : i32
    %dma_wait3A_47 = arith.constant 0 : i32
    %dma_wait3A_48 = tpu.memref_slice %arg2[%dma_wait3A_46, %dma_wait3A_47] : memref<784x128xi32, #tpu.memory_space<hbm>> -> memref<784x128xi32, #tpu.memory_space<hbm>>
    tpu.wait_indirect_dma semaphore(%arg7 : memref<!tpu.dma_semaphore, #tpu.memory_space<semaphore_mem>>) src(%dma_wait3A_48 : memref<784x128xi32, #tpu.memory_space<hbm>>) dst(%arg6 : memref<800x128xi32, #tpu.memory_space<vmem>>)
    "tpu.region"() ({
      %run_scoped3A = tpu.sem_alloc : memref<!tpu.dma_semaphore, #tpu.memory_space<semaphore_mem>>
      %dma_start3A_159 = arith.constant 0 : i32
      %dma_start3A_160 = tpu.memref_slice %arg4[%add3A_42, %dma_start3A_159] : memref<409600x128xi32, #tpu.memory_space<hbm>> -> memref<800x128xi32, #tpu.memory_space<hbm>>
      %dma_start3A_161 = arith.constant 0 : i32
      %dma_start3A_162 = tpu.memref_slice %arg4[%add3A_42, %dma_start3A_161] : memref<409600x128xi32, #tpu.memory_space<hbm>> -> memref<800x128xi32, #tpu.memory_space<hbm>>
      tpu.enqueue_dma source(%arg6 : memref<800x128xi32, #tpu.memory_space<vmem>>) target(%dma_start3A_162 : memref<800x128xi32, #tpu.memory_space<hbm>>) target_semaphore(%run_scoped3A : memref<!tpu.dma_semaphore, #tpu.memory_space<semaphore_mem>>)
      %dma_wait3A_163 = arith.constant 0 : i32
      %dma_wait3A_164 = tpu.memref_slice %arg4[%add3A_42, %dma_wait3A_163] : memref<409600x128xi32, #tpu.memory_space<hbm>> -> memref<800x128xi32, #tpu.memory_space<hbm>>
      %dma_wait3A_165 = arith.constant 0 : i32
      %dma_wait3A_166 = tpu.memref_slice %arg4[%add3A_42, %dma_wait3A_165] : memref<409600x128xi32, #tpu.memory_space<hbm>> -> memref<800x128xi32, #tpu.memory_space<hbm>>
      tpu.wait_dma2 semaphore(%run_scoped3A : memref<!tpu.dma_semaphore, #tpu.memory_space<semaphore_mem>>) src(%arg6 : memref<800x128xi32, #tpu.memory_space<vmem>>) dst(%dma_wait3A_166 : memref<800x128xi32, #tpu.memory_space<hbm>>)
      tpu.yield
    }) : () -> ()
    %mul3A_49 = arith.constant 12800 : i32
    %mul3A_50 = arith.muli %add3A, %mul3A_49 : i32
    %add3A_51 = arith.constant 4000 : i32
    %add3A_52 = arith.addi %mul3A_50, %add3A_51 : i32
    "tpu.region"() ({
      %run_scoped3A = tpu.sem_alloc : memref<!tpu.dma_semaphore, #tpu.memory_space<semaphore_mem>>
      %dma_start3A_159 = tpu.memref_slice %arg3[%add3A_52] : memref<409600xi32, #tpu.memory_space<hbm>> -> memref<800xi32, #tpu.memory_space<hbm>>
      %dma_start3A_160 = tpu.memref_slice %arg3[%add3A_52] : memref<409600xi32, #tpu.memory_space<hbm>> -> memref<800xi32, #tpu.memory_space<hbm>>
      tpu.enqueue_dma source(%dma_start3A_160 : memref<800xi32, #tpu.memory_space<hbm>>) target(%arg5 : memref<800xi32, #tpu.memory_space<vmem>>) target_semaphore(%run_scoped3A : memref<!tpu.dma_semaphore, #tpu.memory_space<semaphore_mem>>)
      %dma_wait3A_161 = tpu.memref_slice %arg3[%add3A_52] : memref<409600xi32, #tpu.memory_space<hbm>> -> memref<800xi32, #tpu.memory_space<hbm>>
      %dma_wait3A_162 = tpu.memref_slice %arg3[%add3A_52] : memref<409600xi32, #tpu.memory_space<hbm>> -> memref<800xi32, #tpu.memory_space<hbm>>
      tpu.wait_dma2 semaphore(%run_scoped3A : memref<!tpu.dma_semaphore, #tpu.memory_space<semaphore_mem>>) src(%dma_wait3A_162 : memref<800xi32, #tpu.memory_space<hbm>>) dst(%arg5 : memref<800xi32, #tpu.memory_space<vmem>>)
      tpu.yield
    }) : () -> ()
    %dma_start3A_53 = arith.constant 0 : i32
    %dma_start3A_54 = arith.constant 0 : i32
    %dma_start3A_55 = tpu.memref_slice %arg2[%dma_start3A_53, %dma_start3A_54] : memref<784x128xi32, #tpu.memory_space<hbm>> -> memref<784x128xi32, #tpu.memory_space<hbm>>
    tpu.enqueue_indirect_dma source(%dma_start3A_55 : memref<784x128xi32, #tpu.memory_space<hbm>>) target(%arg6 : memref<800x128xi32, #tpu.memory_space<vmem>>) offsets(%arg5 : memref<800xi32, #tpu.memory_space<vmem>>) semaphore(%arg7 : memref<!tpu.dma_semaphore, #tpu.memory_space<semaphore_mem>>)
    %dma_wait3A_56 = arith.constant 0 : i32
    %dma_wait3A_57 = arith.constant 0 : i32
    %dma_wait3A_58 = tpu.memref_slice %arg2[%dma_wait3A_56, %dma_wait3A_57] : memref<784x128xi32, #tpu.memory_space<hbm>> -> memref<784x128xi32, #tpu.memory_space<hbm>>
    tpu.wait_indirect_dma semaphore(%arg7 : memref<!tpu.dma_semaphore, #tpu.memory_space<semaphore_mem>>) src(%dma_wait3A_58 : memref<784x128xi32, #tpu.memory_space<hbm>>) dst(%arg6 : memref<800x128xi32, #tpu.memory_space<vmem>>)
    "tpu.region"() ({
      %run_scoped3A = tpu.sem_alloc : memref<!tpu.dma_semaphore, #tpu.memory_space<semaphore_mem>>
      %dma_start3A_159 = arith.constant 0 : i32
      %dma_start3A_160 = tpu.memref_slice %arg4[%add3A_52, %dma_start3A_159] : memref<409600x128xi32, #tpu.memory_space<hbm>> -> memref<800x128xi32, #tpu.memory_space<hbm>>
      %dma_start3A_161 = arith.constant 0 : i32
      %dma_start3A_162 = tpu.memref_slice %arg4[%add3A_52, %dma_start3A_161] : memref<409600x128xi32, #tpu.memory_space<hbm>> -> memref<800x128xi32, #tpu.memory_space<hbm>>
      tpu.enqueue_dma source(%arg6 : memref<800x128xi32, #tpu.memory_space<vmem>>) target(%dma_start3A_162 : memref<800x128xi32, #tpu.memory_space<hbm>>) target_semaphore(%run_scoped3A : memref<!tpu.dma_semaphore, #tpu.memory_space<semaphore_mem>>)
      %dma_wait3A_163 = arith.constant 0 : i32
      %dma_wait3A_164 = tpu.memref_slice %arg4[%add3A_52, %dma_wait3A_163] : memref<409600x128xi32, #tpu.memory_space<hbm>> -> memref<800x128xi32, #tpu.memory_space<hbm>>
      %dma_wait3A_165 = arith.constant 0 : i32
      %dma_wait3A_166 = tpu.memref_slice %arg4[%add3A_52, %dma_wait3A_165] : memref<409600x128xi32, #tpu.memory_space<hbm>> -> memref<800x128xi32, #tpu.memory_space<hbm>>
      tpu.wait_dma2 semaphore(%run_scoped3A : memref<!tpu.dma_semaphore, #tpu.memory_space<semaphore_mem>>) src(%arg6 : memref<800x128xi32, #tpu.memory_space<vmem>>) dst(%dma_wait3A_166 : memref<800x128xi32, #tpu.memory_space<hbm>>)
      tpu.yield
    }) : () -> ()
    %mul3A_59 = arith.constant 12800 : i32
    %mul3A_60 = arith.muli %add3A, %mul3A_59 : i32
    %add3A_61 = arith.constant 4800 : i32
    %add3A_62 = arith.addi %mul3A_60, %add3A_61 : i32
    "tpu.region"() ({
      %run_scoped3A = tpu.sem_alloc : memref<!tpu.dma_semaphore, #tpu.memory_space<semaphore_mem>>
      %dma_start3A_159 = tpu.memref_slice %arg3[%add3A_62] : memref<409600xi32, #tpu.memory_space<hbm>> -> memref<800xi32, #tpu.memory_space<hbm>>
      %dma_start3A_160 = tpu.memref_slice %arg3[%add3A_62] : memref<409600xi32, #tpu.memory_space<hbm>> -> memref<800xi32, #tpu.memory_space<hbm>>
      tpu.enqueue_dma source(%dma_start3A_160 : memref<800xi32, #tpu.memory_space<hbm>>) target(%arg5 : memref<800xi32, #tpu.memory_space<vmem>>) target_semaphore(%run_scoped3A : memref<!tpu.dma_semaphore, #tpu.memory_space<semaphore_mem>>)
      %dma_wait3A_161 = tpu.memref_slice %arg3[%add3A_62] : memref<409600xi32, #tpu.memory_space<hbm>> -> memref<800xi32, #tpu.memory_space<hbm>>
      %dma_wait3A_162 = tpu.memref_slice %arg3[%add3A_62] : memref<409600xi32, #tpu.memory_space<hbm>> -> memref<800xi32, #tpu.memory_space<hbm>>
      tpu.wait_dma2 semaphore(%run_scoped3A : memref<!tpu.dma_semaphore, #tpu.memory_space<semaphore_mem>>) src(%dma_wait3A_162 : memref<800xi32, #tpu.memory_space<hbm>>) dst(%arg5 : memref<800xi32, #tpu.memory_space<vmem>>)
      tpu.yield
    }) : () -> ()
    %dma_start3A_63 = arith.constant 0 : i32
    %dma_start3A_64 = arith.constant 0 : i32
    %dma_start3A_65 = tpu.memref_slice %arg2[%dma_start3A_63, %dma_start3A_64] : memref<784x128xi32, #tpu.memory_space<hbm>> -> memref<784x128xi32, #tpu.memory_space<hbm>>
    tpu.enqueue_indirect_dma source(%dma_start3A_65 : memref<784x128xi32, #tpu.memory_space<hbm>>) target(%arg6 : memref<800x128xi32, #tpu.memory_space<vmem>>) offsets(%arg5 : memref<800xi32, #tpu.memory_space<vmem>>) semaphore(%arg7 : memref<!tpu.dma_semaphore, #tpu.memory_space<semaphore_mem>>)
    %dma_wait3A_66 = arith.constant 0 : i32
    %dma_wait3A_67 = arith.constant 0 : i32
    %dma_wait3A_68 = tpu.memref_slice %arg2[%dma_wait3A_66, %dma_wait3A_67] : memref<784x128xi32, #tpu.memory_space<hbm>> -> memref<784x128xi32, #tpu.memory_space<hbm>>
    tpu.wait_indirect_dma semaphore(%arg7 : memref<!tpu.dma_semaphore, #tpu.memory_space<semaphore_mem>>) src(%dma_wait3A_68 : memref<784x128xi32, #tpu.memory_space<hbm>>) dst(%arg6 : memref<800x128xi32, #tpu.memory_space<vmem>>)
    "tpu.region"() ({
      %run_scoped3A = tpu.sem_alloc : memref<!tpu.dma_semaphore, #tpu.memory_space<semaphore_mem>>
      %dma_start3A_159 = arith.constant 0 : i32
      %dma_start3A_160 = tpu.memref_slice %arg4[%add3A_62, %dma_start3A_159] : memref<409600x128xi32, #tpu.memory_space<hbm>> -> memref<800x128xi32, #tpu.memory_space<hbm>>
      %dma_start3A_161 = arith.constant 0 : i32
      %dma_start3A_162 = tpu.memref_slice %arg4[%add3A_62, %dma_start3A_161] : memref<409600x128xi32, #tpu.memory_space<hbm>> -> memref<800x128xi32, #tpu.memory_space<hbm>>
      tpu.enqueue_dma source(%arg6 : memref<800x128xi32, #tpu.memory_space<vmem>>) target(%dma_start3A_162 : memref<800x128xi32, #tpu.memory_space<hbm>>) target_semaphore(%run_scoped3A : memref<!tpu.dma_semaphore, #tpu.memory_space<semaphore_mem>>)
      %dma_wait3A_163 = arith.constant 0 : i32
      %dma_wait3A_164 = tpu.memref_slice %arg4[%add3A_62, %dma_wait3A_163] : memref<409600x128xi32, #tpu.memory_space<hbm>> -> memref<800x128xi32, #tpu.memory_space<hbm>>
      %dma_wait3A_165 = arith.constant 0 : i32
      %dma_wait3A_166 = tpu.memref_slice %arg4[%add3A_62, %dma_wait3A_165] : memref<409600x128xi32, #tpu.memory_space<hbm>> -> memref<800x128xi32, #tpu.memory_space<hbm>>
      tpu.wait_dma2 semaphore(%run_scoped3A : memref<!tpu.dma_semaphore, #tpu.memory_space<semaphore_mem>>) src(%arg6 : memref<800x128xi32, #tpu.memory_space<vmem>>) dst(%dma_wait3A_166 : memref<800x128xi32, #tpu.memory_space<hbm>>)
      tpu.yield
    }) : () -> ()
    %mul3A_69 = arith.constant 12800 : i32
    %mul3A_70 = arith.muli %add3A, %mul3A_69 : i32
    %add3A_71 = arith.constant 5600 : i32
    %add3A_72 = arith.addi %mul3A_70, %add3A_71 : i32
    "tpu.region"() ({
      %run_scoped3A = tpu.sem_alloc : memref<!tpu.dma_semaphore, #tpu.memory_space<semaphore_mem>>
      %dma_start3A_159 = tpu.memref_slice %arg3[%add3A_72] : memref<409600xi32, #tpu.memory_space<hbm>> -> memref<800xi32, #tpu.memory_space<hbm>>
      %dma_start3A_160 = tpu.memref_slice %arg3[%add3A_72] : memref<409600xi32, #tpu.memory_space<hbm>> -> memref<800xi32, #tpu.memory_space<hbm>>
      tpu.enqueue_dma source(%dma_start3A_160 : memref<800xi32, #tpu.memory_space<hbm>>) target(%arg5 : memref<800xi32, #tpu.memory_space<vmem>>) target_semaphore(%run_scoped3A : memref<!tpu.dma_semaphore, #tpu.memory_space<semaphore_mem>>)
      %dma_wait3A_161 = tpu.memref_slice %arg3[%add3A_72] : memref<409600xi32, #tpu.memory_space<hbm>> -> memref<800xi32, #tpu.memory_space<hbm>>
      %dma_wait3A_162 = tpu.memref_slice %arg3[%add3A_72] : memref<409600xi32, #tpu.memory_space<hbm>> -> memref<800xi32, #tpu.memory_space<hbm>>
      tpu.wait_dma2 semaphore(%run_scoped3A : memref<!tpu.dma_semaphore, #tpu.memory_space<semaphore_mem>>) src(%dma_wait3A_162 : memref<800xi32, #tpu.memory_space<hbm>>) dst(%arg5 : memref<800xi32, #tpu.memory_space<vmem>>)
      tpu.yield
    }) : () -> ()
    %dma_start3A_73 = arith.constant 0 : i32
    %dma_start3A_74 = arith.constant 0 : i32
    %dma_start3A_75 = tpu.memref_slice %arg2[%dma_start3A_73, %dma_start3A_74] : memref<784x128xi32, #tpu.memory_space<hbm>> -> memref<784x128xi32, #tpu.memory_space<hbm>>
    tpu.enqueue_indirect_dma source(%dma_start3A_75 : memref<784x128xi32, #tpu.memory_space<hbm>>) target(%arg6 : memref<800x128xi32, #tpu.memory_space<vmem>>) offsets(%arg5 : memref<800xi32, #tpu.memory_space<vmem>>) semaphore(%arg7 : memref<!tpu.dma_semaphore, #tpu.memory_space<semaphore_mem>>)
    %dma_wait3A_76 = arith.constant 0 : i32
    %dma_wait3A_77 = arith.constant 0 : i32
    %dma_wait3A_78 = tpu.memref_slice %arg2[%dma_wait3A_76, %dma_wait3A_77] : memref<784x128xi32, #tpu.memory_space<hbm>> -> memref<784x128xi32, #tpu.memory_space<hbm>>
    tpu.wait_indirect_dma semaphore(%arg7 : memref<!tpu.dma_semaphore, #tpu.memory_space<semaphore_mem>>) src(%dma_wait3A_78 : memref<784x128xi32, #tpu.memory_space<hbm>>) dst(%arg6 : memref<800x128xi32, #tpu.memory_space<vmem>>)
    "tpu.region"() ({
      %run_scoped3A = tpu.sem_alloc : memref<!tpu.dma_semaphore, #tpu.memory_space<semaphore_mem>>
      %dma_start3A_159 = arith.constant 0 : i32
      %dma_start3A_160 = tpu.memref_slice %arg4[%add3A_72, %dma_start3A_159] : memref<409600x128xi32, #tpu.memory_space<hbm>> -> memref<800x128xi32, #tpu.memory_space<hbm>>
      %dma_start3A_161 = arith.constant 0 : i32
      %dma_start3A_162 = tpu.memref_slice %arg4[%add3A_72, %dma_start3A_161] : memref<409600x128xi32, #tpu.memory_space<hbm>> -> memref<800x128xi32, #tpu.memory_space<hbm>>
      tpu.enqueue_dma source(%arg6 : memref<800x128xi32, #tpu.memory_space<vmem>>) target(%dma_start3A_162 : memref<800x128xi32, #tpu.memory_space<hbm>>) target_semaphore(%run_scoped3A : memref<!tpu.dma_semaphore, #tpu.memory_space<semaphore_mem>>)
      %dma_wait3A_163 = arith.constant 0 : i32
      %dma_wait3A_164 = tpu.memref_slice %arg4[%add3A_72, %dma_wait3A_163] : memref<409600x128xi32, #tpu.memory_space<hbm>> -> memref<800x128xi32, #tpu.memory_space<hbm>>
      %dma_wait3A_165 = arith.constant 0 : i32
      %dma_wait3A_166 = tpu.memref_slice %arg4[%add3A_72, %dma_wait3A_165] : memref<409600x128xi32, #tpu.memory_space<hbm>> -> memref<800x128xi32, #tpu.memory_space<hbm>>
      tpu.wait_dma2 semaphore(%run_scoped3A : memref<!tpu.dma_semaphore, #tpu.memory_space<semaphore_mem>>) src(%arg6 : memref<800x128xi32, #tpu.memory_space<vmem>>) dst(%dma_wait3A_166 : memref<800x128xi32, #tpu.memory_space<hbm>>)
      tpu.yield
    }) : () -> ()
    %mul3A_79 = arith.constant 12800 : i32
    %mul3A_80 = arith.muli %add3A, %mul3A_79 : i32
    %add3A_81 = arith.constant 6400 : i32
    %add3A_82 = arith.addi %mul3A_80, %add3A_81 : i32
    "tpu.region"() ({
      %run_scoped3A = tpu.sem_alloc : memref<!tpu.dma_semaphore, #tpu.memory_space<semaphore_mem>>
      %dma_start3A_159 = tpu.memref_slice %arg3[%add3A_82] : memref<409600xi32, #tpu.memory_space<hbm>> -> memref<800xi32, #tpu.memory_space<hbm>>
      %dma_start3A_160 = tpu.memref_slice %arg3[%add3A_82] : memref<409600xi32, #tpu.memory_space<hbm>> -> memref<800xi32, #tpu.memory_space<hbm>>
      tpu.enqueue_dma source(%dma_start3A_160 : memref<800xi32, #tpu.memory_space<hbm>>) target(%arg5 : memref<800xi32, #tpu.memory_space<vmem>>) target_semaphore(%run_scoped3A : memref<!tpu.dma_semaphore, #tpu.memory_space<semaphore_mem>>)
      %dma_wait3A_161 = tpu.memref_slice %arg3[%add3A_82] : memref<409600xi32, #tpu.memory_space<hbm>> -> memref<800xi32, #tpu.memory_space<hbm>>
      %dma_wait3A_162 = tpu.memref_slice %arg3[%add3A_82] : memref<409600xi32, #tpu.memory_space<hbm>> -> memref<800xi32, #tpu.memory_space<hbm>>
      tpu.wait_dma2 semaphore(%run_scoped3A : memref<!tpu.dma_semaphore, #tpu.memory_space<semaphore_mem>>) src(%dma_wait3A_162 : memref<800xi32, #tpu.memory_space<hbm>>) dst(%arg5 : memref<800xi32, #tpu.memory_space<vmem>>)
      tpu.yield
    }) : () -> ()
    %dma_start3A_83 = arith.constant 0 : i32
    %dma_start3A_84 = arith.constant 0 : i32
    %dma_start3A_85 = tpu.memref_slice %arg2[%dma_start3A_83, %dma_start3A_84] : memref<784x128xi32, #tpu.memory_space<hbm>> -> memref<784x128xi32, #tpu.memory_space<hbm>>
    tpu.enqueue_indirect_dma source(%dma_start3A_85 : memref<784x128xi32, #tpu.memory_space<hbm>>) target(%arg6 : memref<800x128xi32, #tpu.memory_space<vmem>>) offsets(%arg5 : memref<800xi32, #tpu.memory_space<vmem>>) semaphore(%arg7 : memref<!tpu.dma_semaphore, #tpu.memory_space<semaphore_mem>>)
    %dma_wait3A_86 = arith.constant 0 : i32
    %dma_wait3A_87 = arith.constant 0 : i32
    %dma_wait3A_88 = tpu.memref_slice %arg2[%dma_wait3A_86, %dma_wait3A_87] : memref<784x128xi32, #tpu.memory_space<hbm>> -> memref<784x128xi32, #tpu.memory_space<hbm>>
    tpu.wait_indirect_dma semaphore(%arg7 : memref<!tpu.dma_semaphore, #tpu.memory_space<semaphore_mem>>) src(%dma_wait3A_88 : memref<784x128xi32, #tpu.memory_space<hbm>>) dst(%arg6 : memref<800x128xi32, #tpu.memory_space<vmem>>)
    "tpu.region"() ({
      %run_scoped3A = tpu.sem_alloc : memref<!tpu.dma_semaphore, #tpu.memory_space<semaphore_mem>>
      %dma_start3A_159 = arith.constant 0 : i32
      %dma_start3A_160 = tpu.memref_slice %arg4[%add3A_82, %dma_start3A_159] : memref<409600x128xi32, #tpu.memory_space<hbm>> -> memref<800x128xi32, #tpu.memory_space<hbm>>
      %dma_start3A_161 = arith.constant 0 : i32
      %dma_start3A_162 = tpu.memref_slice %arg4[%add3A_82, %dma_start3A_161] : memref<409600x128xi32, #tpu.memory_space<hbm>> -> memref<800x128xi32, #tpu.memory_space<hbm>>
      tpu.enqueue_dma source(%arg6 : memref<800x128xi32, #tpu.memory_space<vmem>>) target(%dma_start3A_162 : memref<800x128xi32, #tpu.memory_space<hbm>>) target_semaphore(%run_scoped3A : memref<!tpu.dma_semaphore, #tpu.memory_space<semaphore_mem>>)
      %dma_wait3A_163 = arith.constant 0 : i32
      %dma_wait3A_164 = tpu.memref_slice %arg4[%add3A_82, %dma_wait3A_163] : memref<409600x128xi32, #tpu.memory_space<hbm>> -> memref<800x128xi32, #tpu.memory_space<hbm>>
      %dma_wait3A_165 = arith.constant 0 : i32
      %dma_wait3A_166 = tpu.memref_slice %arg4[%add3A_82, %dma_wait3A_165] : memref<409600x128xi32, #tpu.memory_space<hbm>> -> memref<800x128xi32, #tpu.memory_space<hbm>>
      tpu.wait_dma2 semaphore(%run_scoped3A : memref<!tpu.dma_semaphore, #tpu.memory_space<semaphore_mem>>) src(%arg6 : memref<800x128xi32, #tpu.memory_space<vmem>>) dst(%dma_wait3A_166 : memref<800x128xi32, #tpu.memory_space<hbm>>)
      tpu.yield
    }) : () -> ()
    %mul3A_89 = arith.constant 12800 : i32
    %mul3A_90 = arith.muli %add3A, %mul3A_89 : i32
    %add3A_91 = arith.constant 7200 : i32
    %add3A_92 = arith.addi %mul3A_90, %add3A_91 : i32
    "tpu.region"() ({
      %run_scoped3A = tpu.sem_alloc : memref<!tpu.dma_semaphore, #tpu.memory_space<semaphore_mem>>
      %dma_start3A_159 = tpu.memref_slice %arg3[%add3A_92] : memref<409600xi32, #tpu.memory_space<hbm>> -> memref<800xi32, #tpu.memory_space<hbm>>
      %dma_start3A_160 = tpu.memref_slice %arg3[%add3A_92] : memref<409600xi32, #tpu.memory_space<hbm>> -> memref<800xi32, #tpu.memory_space<hbm>>
      tpu.enqueue_dma source(%dma_start3A_160 : memref<800xi32, #tpu.memory_space<hbm>>) target(%arg5 : memref<800xi32, #tpu.memory_space<vmem>>) target_semaphore(%run_scoped3A : memref<!tpu.dma_semaphore, #tpu.memory_space<semaphore_mem>>)
      %dma_wait3A_161 = tpu.memref_slice %arg3[%add3A_92] : memref<409600xi32, #tpu.memory_space<hbm>> -> memref<800xi32, #tpu.memory_space<hbm>>
      %dma_wait3A_162 = tpu.memref_slice %arg3[%add3A_92] : memref<409600xi32, #tpu.memory_space<hbm>> -> memref<800xi32, #tpu.memory_space<hbm>>
      tpu.wait_dma2 semaphore(%run_scoped3A : memref<!tpu.dma_semaphore, #tpu.memory_space<semaphore_mem>>) src(%dma_wait3A_162 : memref<800xi32, #tpu.memory_space<hbm>>) dst(%arg5 : memref<800xi32, #tpu.memory_space<vmem>>)
      tpu.yield
    }) : () -> ()
    %dma_start3A_93 = arith.constant 0 : i32
    %dma_start3A_94 = arith.constant 0 : i32
    %dma_start3A_95 = tpu.memref_slice %arg2[%dma_start3A_93, %dma_start3A_94] : memref<784x128xi32, #tpu.memory_space<hbm>> -> memref<784x128xi32, #tpu.memory_space<hbm>>
    tpu.enqueue_indirect_dma source(%dma_start3A_95 : memref<784x128xi32, #tpu.memory_space<hbm>>) target(%arg6 : memref<800x128xi32, #tpu.memory_space<vmem>>) offsets(%arg5 : memref<800xi32, #tpu.memory_space<vmem>>) semaphore(%arg7 : memref<!tpu.dma_semaphore, #tpu.memory_space<semaphore_mem>>)
    %dma_wait3A_96 = arith.constant 0 : i32
    %dma_wait3A_97 = arith.constant 0 : i32
    %dma_wait3A_98 = tpu.memref_slice %arg2[%dma_wait3A_96, %dma_wait3A_97] : memref<784x128xi32, #tpu.memory_space<hbm>> -> memref<784x128xi32, #tpu.memory_space<hbm>>
    tpu.wait_indirect_dma semaphore(%arg7 : memref<!tpu.dma_semaphore, #tpu.memory_space<semaphore_mem>>) src(%dma_wait3A_98 : memref<784x128xi32, #tpu.memory_space<hbm>>) dst(%arg6 : memref<800x128xi32, #tpu.memory_space<vmem>>)
    "tpu.region"() ({
      %run_scoped3A = tpu.sem_alloc : memref<!tpu.dma_semaphore, #tpu.memory_space<semaphore_mem>>
      %dma_start3A_159 = arith.constant 0 : i32
      %dma_start3A_160 = tpu.memref_slice %arg4[%add3A_92, %dma_start3A_159] : memref<409600x128xi32, #tpu.memory_space<hbm>> -> memref<800x128xi32, #tpu.memory_space<hbm>>
      %dma_start3A_161 = arith.constant 0 : i32
      %dma_start3A_162 = tpu.memref_slice %arg4[%add3A_92, %dma_start3A_161] : memref<409600x128xi32, #tpu.memory_space<hbm>> -> memref<800x128xi32, #tpu.memory_space<hbm>>
      tpu.enqueue_dma source(%arg6 : memref<800x128xi32, #tpu.memory_space<vmem>>) target(%dma_start3A_162 : memref<800x128xi32, #tpu.memory_space<hbm>>) target_semaphore(%run_scoped3A : memref<!tpu.dma_semaphore, #tpu.memory_space<semaphore_mem>>)
      %dma_wait3A_163 = arith.constant 0 : i32
      %dma_wait3A_164 = tpu.memref_slice %arg4[%add3A_92, %dma_wait3A_163] : memref<409600x128xi32, #tpu.memory_space<hbm>> -> memref<800x128xi32, #tpu.memory_space<hbm>>
      %dma_wait3A_165 = arith.constant 0 : i32
      %dma_wait3A_166 = tpu.memref_slice %arg4[%add3A_92, %dma_wait3A_165] : memref<409600x128xi32, #tpu.memory_space<hbm>> -> memref<800x128xi32, #tpu.memory_space<hbm>>
      tpu.wait_dma2 semaphore(%run_scoped3A : memref<!tpu.dma_semaphore, #tpu.memory_space<semaphore_mem>>) src(%arg6 : memref<800x128xi32, #tpu.memory_space<vmem>>) dst(%dma_wait3A_166 : memref<800x128xi32, #tpu.memory_space<hbm>>)
      tpu.yield
    }) : () -> ()
    %mul3A_99 = arith.constant 12800 : i32
    %mul3A_100 = arith.muli %add3A, %mul3A_99 : i32
    %add3A_101 = arith.constant 8000 : i32
    %add3A_102 = arith.addi %mul3A_100, %add3A_101 : i32
    "tpu.region"() ({
      %run_scoped3A = tpu.sem_alloc : memref<!tpu.dma_semaphore, #tpu.memory_space<semaphore_mem>>
      %dma_start3A_159 = tpu.memref_slice %arg3[%add3A_102] : memref<409600xi32, #tpu.memory_space<hbm>> -> memref<800xi32, #tpu.memory_space<hbm>>
      %dma_start3A_160 = tpu.memref_slice %arg3[%add3A_102] : memref<409600xi32, #tpu.memory_space<hbm>> -> memref<800xi32, #tpu.memory_space<hbm>>
      tpu.enqueue_dma source(%dma_start3A_160 : memref<800xi32, #tpu.memory_space<hbm>>) target(%arg5 : memref<800xi32, #tpu.memory_space<vmem>>) target_semaphore(%run_scoped3A : memref<!tpu.dma_semaphore, #tpu.memory_space<semaphore_mem>>)
      %dma_wait3A_161 = tpu.memref_slice %arg3[%add3A_102] : memref<409600xi32, #tpu.memory_space<hbm>> -> memref<800xi32, #tpu.memory_space<hbm>>
      %dma_wait3A_162 = tpu.memref_slice %arg3[%add3A_102] : memref<409600xi32, #tpu.memory_space<hbm>> -> memref<800xi32, #tpu.memory_space<hbm>>
      tpu.wait_dma2 semaphore(%run_scoped3A : memref<!tpu.dma_semaphore, #tpu.memory_space<semaphore_mem>>) src(%dma_wait3A_162 : memref<800xi32, #tpu.memory_space<hbm>>) dst(%arg5 : memref<800xi32, #tpu.memory_space<vmem>>)
      tpu.yield
    }) : () -> ()
    %dma_start3A_103 = arith.constant 0 : i32
    %dma_start3A_104 = arith.constant 0 : i32
    %dma_start3A_105 = tpu.memref_slice %arg2[%dma_start3A_103, %dma_start3A_104] : memref<784x128xi32, #tpu.memory_space<hbm>> -> memref<784x128xi32, #tpu.memory_space<hbm>>
    tpu.enqueue_indirect_dma source(%dma_start3A_105 : memref<784x128xi32, #tpu.memory_space<hbm>>) target(%arg6 : memref<800x128xi32, #tpu.memory_space<vmem>>) offsets(%arg5 : memref<800xi32, #tpu.memory_space<vmem>>) semaphore(%arg7 : memref<!tpu.dma_semaphore, #tpu.memory_space<semaphore_mem>>)
    %dma_wait3A_106 = arith.constant 0 : i32
    %dma_wait3A_107 = arith.constant 0 : i32
    %dma_wait3A_108 = tpu.memref_slice %arg2[%dma_wait3A_106, %dma_wait3A_107] : memref<784x128xi32, #tpu.memory_space<hbm>> -> memref<784x128xi32, #tpu.memory_space<hbm>>
    tpu.wait_indirect_dma semaphore(%arg7 : memref<!tpu.dma_semaphore, #tpu.memory_space<semaphore_mem>>) src(%dma_wait3A_108 : memref<784x128xi32, #tpu.memory_space<hbm>>) dst(%arg6 : memref<800x128xi32, #tpu.memory_space<vmem>>)
    "tpu.region"() ({
      %run_scoped3A = tpu.sem_alloc : memref<!tpu.dma_semaphore, #tpu.memory_space<semaphore_mem>>
      %dma_start3A_159 = arith.constant 0 : i32
      %dma_start3A_160 = tpu.memref_slice %arg4[%add3A_102, %dma_start3A_159] : memref<409600x128xi32, #tpu.memory_space<hbm>> -> memref<800x128xi32, #tpu.memory_space<hbm>>
      %dma_start3A_161 = arith.constant 0 : i32
      %dma_start3A_162 = tpu.memref_slice %arg4[%add3A_102, %dma_start3A_161] : memref<409600x128xi32, #tpu.memory_space<hbm>> -> memref<800x128xi32, #tpu.memory_space<hbm>>
      tpu.enqueue_dma source(%arg6 : memref<800x128xi32, #tpu.memory_space<vmem>>) target(%dma_start3A_162 : memref<800x128xi32, #tpu.memory_space<hbm>>) target_semaphore(%run_scoped3A : memref<!tpu.dma_semaphore, #tpu.memory_space<semaphore_mem>>)
      %dma_wait3A_163 = arith.constant 0 : i32
      %dma_wait3A_164 = tpu.memref_slice %arg4[%add3A_102, %dma_wait3A_163] : memref<409600x128xi32, #tpu.memory_space<hbm>> -> memref<800x128xi32, #tpu.memory_space<hbm>>
      %dma_wait3A_165 = arith.constant 0 : i32
      %dma_wait3A_166 = tpu.memref_slice %arg4[%add3A_102, %dma_wait3A_165] : memref<409600x128xi32, #tpu.memory_space<hbm>> -> memref<800x128xi32, #tpu.memory_space<hbm>>
      tpu.wait_dma2 semaphore(%run_scoped3A : memref<!tpu.dma_semaphore, #tpu.memory_space<semaphore_mem>>) src(%arg6 : memref<800x128xi32, #tpu.memory_space<vmem>>) dst(%dma_wait3A_166 : memref<800x128xi32, #tpu.memory_space<hbm>>)
      tpu.yield
    }) : () -> ()
    %mul3A_109 = arith.constant 12800 : i32
    %mul3A_110 = arith.muli %add3A, %mul3A_109 : i32
    %add3A_111 = arith.constant 8800 : i32
    %add3A_112 = arith.addi %mul3A_110, %add3A_111 : i32
    "tpu.region"() ({
      %run_scoped3A = tpu.sem_alloc : memref<!tpu.dma_semaphore, #tpu.memory_space<semaphore_mem>>
      %dma_start3A_159 = tpu.memref_slice %arg3[%add3A_112] : memref<409600xi32, #tpu.memory_space<hbm>> -> memref<800xi32, #tpu.memory_space<hbm>>
      %dma_start3A_160 = tpu.memref_slice %arg3[%add3A_112] : memref<409600xi32, #tpu.memory_space<hbm>> -> memref<800xi32, #tpu.memory_space<hbm>>
      tpu.enqueue_dma source(%dma_start3A_160 : memref<800xi32, #tpu.memory_space<hbm>>) target(%arg5 : memref<800xi32, #tpu.memory_space<vmem>>) target_semaphore(%run_scoped3A : memref<!tpu.dma_semaphore, #tpu.memory_space<semaphore_mem>>)
      %dma_wait3A_161 = tpu.memref_slice %arg3[%add3A_112] : memref<409600xi32, #tpu.memory_space<hbm>> -> memref<800xi32, #tpu.memory_space<hbm>>
      %dma_wait3A_162 = tpu.memref_slice %arg3[%add3A_112] : memref<409600xi32, #tpu.memory_space<hbm>> -> memref<800xi32, #tpu.memory_space<hbm>>
      tpu.wait_dma2 semaphore(%run_scoped3A : memref<!tpu.dma_semaphore, #tpu.memory_space<semaphore_mem>>) src(%dma_wait3A_162 : memref<800xi32, #tpu.memory_space<hbm>>) dst(%arg5 : memref<800xi32, #tpu.memory_space<vmem>>)
      tpu.yield
    }) : () -> ()
    %dma_start3A_113 = arith.constant 0 : i32
    %dma_start3A_114 = arith.constant 0 : i32
    %dma_start3A_115 = tpu.memref_slice %arg2[%dma_start3A_113, %dma_start3A_114] : memref<784x128xi32, #tpu.memory_space<hbm>> -> memref<784x128xi32, #tpu.memory_space<hbm>>
    tpu.enqueue_indirect_dma source(%dma_start3A_115 : memref<784x128xi32, #tpu.memory_space<hbm>>) target(%arg6 : memref<800x128xi32, #tpu.memory_space<vmem>>) offsets(%arg5 : memref<800xi32, #tpu.memory_space<vmem>>) semaphore(%arg7 : memref<!tpu.dma_semaphore, #tpu.memory_space<semaphore_mem>>)
    %dma_wait3A_116 = arith.constant 0 : i32
    %dma_wait3A_117 = arith.constant 0 : i32
    %dma_wait3A_118 = tpu.memref_slice %arg2[%dma_wait3A_116, %dma_wait3A_117] : memref<784x128xi32, #tpu.memory_space<hbm>> -> memref<784x128xi32, #tpu.memory_space<hbm>>
    tpu.wait_indirect_dma semaphore(%arg7 : memref<!tpu.dma_semaphore, #tpu.memory_space<semaphore_mem>>) src(%dma_wait3A_118 : memref<784x128xi32, #tpu.memory_space<hbm>>) dst(%arg6 : memref<800x128xi32, #tpu.memory_space<vmem>>)
    "tpu.region"() ({
      %run_scoped3A = tpu.sem_alloc : memref<!tpu.dma_semaphore, #tpu.memory_space<semaphore_mem>>
      %dma_start3A_159 = arith.constant 0 : i32
      %dma_start3A_160 = tpu.memref_slice %arg4[%add3A_112, %dma_start3A_159] : memref<409600x128xi32, #tpu.memory_space<hbm>> -> memref<800x128xi32, #tpu.memory_space<hbm>>
      %dma_start3A_161 = arith.constant 0 : i32
      %dma_start3A_162 = tpu.memref_slice %arg4[%add3A_112, %dma_start3A_161] : memref<409600x128xi32, #tpu.memory_space<hbm>> -> memref<800x128xi32, #tpu.memory_space<hbm>>
      tpu.enqueue_dma source(%arg6 : memref<800x128xi32, #tpu.memory_space<vmem>>) target(%dma_start3A_162 : memref<800x128xi32, #tpu.memory_space<hbm>>) target_semaphore(%run_scoped3A : memref<!tpu.dma_semaphore, #tpu.memory_space<semaphore_mem>>)
      %dma_wait3A_163 = arith.constant 0 : i32
      %dma_wait3A_164 = tpu.memref_slice %arg4[%add3A_112, %dma_wait3A_163] : memref<409600x128xi32, #tpu.memory_space<hbm>> -> memref<800x128xi32, #tpu.memory_space<hbm>>
      %dma_wait3A_165 = arith.constant 0 : i32
      %dma_wait3A_166 = tpu.memref_slice %arg4[%add3A_112, %dma_wait3A_165] : memref<409600x128xi32, #tpu.memory_space<hbm>> -> memref<800x128xi32, #tpu.memory_space<hbm>>
      tpu.wait_dma2 semaphore(%run_scoped3A : memref<!tpu.dma_semaphore, #tpu.memory_space<semaphore_mem>>) src(%arg6 : memref<800x128xi32, #tpu.memory_space<vmem>>) dst(%dma_wait3A_166 : memref<800x128xi32, #tpu.memory_space<hbm>>)
      tpu.yield
    }) : () -> ()
    %mul3A_119 = arith.constant 12800 : i32
    %mul3A_120 = arith.muli %add3A, %mul3A_119 : i32
    %add3A_121 = arith.constant 9600 : i32
    %add3A_122 = arith.addi %mul3A_120, %add3A_121 : i32
    "tpu.region"() ({
      %run_scoped3A = tpu.sem_alloc : memref<!tpu.dma_semaphore, #tpu.memory_space<semaphore_mem>>
      %dma_start3A_159 = tpu.memref_slice %arg3[%add3A_122] : memref<409600xi32, #tpu.memory_space<hbm>> -> memref<800xi32, #tpu.memory_space<hbm>>
      %dma_start3A_160 = tpu.memref_slice %arg3[%add3A_122] : memref<409600xi32, #tpu.memory_space<hbm>> -> memref<800xi32, #tpu.memory_space<hbm>>
      tpu.enqueue_dma source(%dma_start3A_160 : memref<800xi32, #tpu.memory_space<hbm>>) target(%arg5 : memref<800xi32, #tpu.memory_space<vmem>>) target_semaphore(%run_scoped3A : memref<!tpu.dma_semaphore, #tpu.memory_space<semaphore_mem>>)
      %dma_wait3A_161 = tpu.memref_slice %arg3[%add3A_122] : memref<409600xi32, #tpu.memory_space<hbm>> -> memref<800xi32, #tpu.memory_space<hbm>>
      %dma_wait3A_162 = tpu.memref_slice %arg3[%add3A_122] : memref<409600xi32, #tpu.memory_space<hbm>> -> memref<800xi32, #tpu.memory_space<hbm>>
      tpu.wait_dma2 semaphore(%run_scoped3A : memref<!tpu.dma_semaphore, #tpu.memory_space<semaphore_mem>>) src(%dma_wait3A_162 : memref<800xi32, #tpu.memory_space<hbm>>) dst(%arg5 : memref<800xi32, #tpu.memory_space<vmem>>)
      tpu.yield
    }) : () -> ()
    %dma_start3A_123 = arith.constant 0 : i32
    %dma_start3A_124 = arith.constant 0 : i32
    %dma_start3A_125 = tpu.memref_slice %arg2[%dma_start3A_123, %dma_start3A_124] : memref<784x128xi32, #tpu.memory_space<hbm>> -> memref<784x128xi32, #tpu.memory_space<hbm>>
    tpu.enqueue_indirect_dma source(%dma_start3A_125 : memref<784x128xi32, #tpu.memory_space<hbm>>) target(%arg6 : memref<800x128xi32, #tpu.memory_space<vmem>>) offsets(%arg5 : memref<800xi32, #tpu.memory_space<vmem>>) semaphore(%arg7 : memref<!tpu.dma_semaphore, #tpu.memory_space<semaphore_mem>>)
    %dma_wait3A_126 = arith.constant 0 : i32
    %dma_wait3A_127 = arith.constant 0 : i32
    %dma_wait3A_128 = tpu.memref_slice %arg2[%dma_wait3A_126, %dma_wait3A_127] : memref<784x128xi32, #tpu.memory_space<hbm>> -> memref<784x128xi32, #tpu.memory_space<hbm>>
    tpu.wait_indirect_dma semaphore(%arg7 : memref<!tpu.dma_semaphore, #tpu.memory_space<semaphore_mem>>) src(%dma_wait3A_128 : memref<784x128xi32, #tpu.memory_space<hbm>>) dst(%arg6 : memref<800x128xi32, #tpu.memory_space<vmem>>)
    "tpu.region"() ({
      %run_scoped3A = tpu.sem_alloc : memref<!tpu.dma_semaphore, #tpu.memory_space<semaphore_mem>>
      %dma_start3A_159 = arith.constant 0 : i32
      %dma_start3A_160 = tpu.memref_slice %arg4[%add3A_122, %dma_start3A_159] : memref<409600x128xi32, #tpu.memory_space<hbm>> -> memref<800x128xi32, #tpu.memory_space<hbm>>
      %dma_start3A_161 = arith.constant 0 : i32
      %dma_start3A_162 = tpu.memref_slice %arg4[%add3A_122, %dma_start3A_161] : memref<409600x128xi32, #tpu.memory_space<hbm>> -> memref<800x128xi32, #tpu.memory_space<hbm>>
      tpu.enqueue_dma source(%arg6 : memref<800x128xi32, #tpu.memory_space<vmem>>) target(%dma_start3A_162 : memref<800x128xi32, #tpu.memory_space<hbm>>) target_semaphore(%run_scoped3A : memref<!tpu.dma_semaphore, #tpu.memory_space<semaphore_mem>>)
      %dma_wait3A_163 = arith.constant 0 : i32
      %dma_wait3A_164 = tpu.memref_slice %arg4[%add3A_122, %dma_wait3A_163] : memref<409600x128xi32, #tpu.memory_space<hbm>> -> memref<800x128xi32, #tpu.memory_space<hbm>>
      %dma_wait3A_165 = arith.constant 0 : i32
      %dma_wait3A_166 = tpu.memref_slice %arg4[%add3A_122, %dma_wait3A_165] : memref<409600x128xi32, #tpu.memory_space<hbm>> -> memref<800x128xi32, #tpu.memory_space<hbm>>
      tpu.wait_dma2 semaphore(%run_scoped3A : memref<!tpu.dma_semaphore, #tpu.memory_space<semaphore_mem>>) src(%arg6 : memref<800x128xi32, #tpu.memory_space<vmem>>) dst(%dma_wait3A_166 : memref<800x128xi32, #tpu.memory_space<hbm>>)
      tpu.yield
    }) : () -> ()
    %mul3A_129 = arith.constant 12800 : i32
    %mul3A_130 = arith.muli %add3A, %mul3A_129 : i32
    %add3A_131 = arith.constant 10400 : i32
    %add3A_132 = arith.addi %mul3A_130, %add3A_131 : i32
    "tpu.region"() ({
      %run_scoped3A = tpu.sem_alloc : memref<!tpu.dma_semaphore, #tpu.memory_space<semaphore_mem>>
      %dma_start3A_159 = tpu.memref_slice %arg3[%add3A_132] : memref<409600xi32, #tpu.memory_space<hbm>> -> memref<800xi32, #tpu.memory_space<hbm>>
      %dma_start3A_160 = tpu.memref_slice %arg3[%add3A_132] : memref<409600xi32, #tpu.memory_space<hbm>> -> memref<800xi32, #tpu.memory_space<hbm>>
      tpu.enqueue_dma source(%dma_start3A_160 : memref<800xi32, #tpu.memory_space<hbm>>) target(%arg5 : memref<800xi32, #tpu.memory_space<vmem>>) target_semaphore(%run_scoped3A : memref<!tpu.dma_semaphore, #tpu.memory_space<semaphore_mem>>)
      %dma_wait3A_161 = tpu.memref_slice %arg3[%add3A_132] : memref<409600xi32, #tpu.memory_space<hbm>> -> memref<800xi32, #tpu.memory_space<hbm>>
      %dma_wait3A_162 = tpu.memref_slice %arg3[%add3A_132] : memref<409600xi32, #tpu.memory_space<hbm>> -> memref<800xi32, #tpu.memory_space<hbm>>
      tpu.wait_dma2 semaphore(%run_scoped3A : memref<!tpu.dma_semaphore, #tpu.memory_space<semaphore_mem>>) src(%dma_wait3A_162 : memref<800xi32, #tpu.memory_space<hbm>>) dst(%arg5 : memref<800xi32, #tpu.memory_space<vmem>>)
      tpu.yield
    }) : () -> ()
    %dma_start3A_133 = arith.constant 0 : i32
    %dma_start3A_134 = arith.constant 0 : i32
    %dma_start3A_135 = tpu.memref_slice %arg2[%dma_start3A_133, %dma_start3A_134] : memref<784x128xi32, #tpu.memory_space<hbm>> -> memref<784x128xi32, #tpu.memory_space<hbm>>
    tpu.enqueue_indirect_dma source(%dma_start3A_135 : memref<784x128xi32, #tpu.memory_space<hbm>>) target(%arg6 : memref<800x128xi32, #tpu.memory_space<vmem>>) offsets(%arg5 : memref<800xi32, #tpu.memory_space<vmem>>) semaphore(%arg7 : memref<!tpu.dma_semaphore, #tpu.memory_space<semaphore_mem>>)
    %dma_wait3A_136 = arith.constant 0 : i32
    %dma_wait3A_137 = arith.constant 0 : i32
    %dma_wait3A_138 = tpu.memref_slice %arg2[%dma_wait3A_136, %dma_wait3A_137] : memref<784x128xi32, #tpu.memory_space<hbm>> -> memref<784x128xi32, #tpu.memory_space<hbm>>
    tpu.wait_indirect_dma semaphore(%arg7 : memref<!tpu.dma_semaphore, #tpu.memory_space<semaphore_mem>>) src(%dma_wait3A_138 : memref<784x128xi32, #tpu.memory_space<hbm>>) dst(%arg6 : memref<800x128xi32, #tpu.memory_space<vmem>>)
    "tpu.region"() ({
      %run_scoped3A = tpu.sem_alloc : memref<!tpu.dma_semaphore, #tpu.memory_space<semaphore_mem>>
      %dma_start3A_159 = arith.constant 0 : i32
      %dma_start3A_160 = tpu.memref_slice %arg4[%add3A_132, %dma_start3A_159] : memref<409600x128xi32, #tpu.memory_space<hbm>> -> memref<800x128xi32, #tpu.memory_space<hbm>>
      %dma_start3A_161 = arith.constant 0 : i32
      %dma_start3A_162 = tpu.memref_slice %arg4[%add3A_132, %dma_start3A_161] : memref<409600x128xi32, #tpu.memory_space<hbm>> -> memref<800x128xi32, #tpu.memory_space<hbm>>
      tpu.enqueue_dma source(%arg6 : memref<800x128xi32, #tpu.memory_space<vmem>>) target(%dma_start3A_162 : memref<800x128xi32, #tpu.memory_space<hbm>>) target_semaphore(%run_scoped3A : memref<!tpu.dma_semaphore, #tpu.memory_space<semaphore_mem>>)
      %dma_wait3A_163 = arith.constant 0 : i32
      %dma_wait3A_164 = tpu.memref_slice %arg4[%add3A_132, %dma_wait3A_163] : memref<409600x128xi32, #tpu.memory_space<hbm>> -> memref<800x128xi32, #tpu.memory_space<hbm>>
      %dma_wait3A_165 = arith.constant 0 : i32
      %dma_wait3A_166 = tpu.memref_slice %arg4[%add3A_132, %dma_wait3A_165] : memref<409600x128xi32, #tpu.memory_space<hbm>> -> memref<800x128xi32, #tpu.memory_space<hbm>>
      tpu.wait_dma2 semaphore(%run_scoped3A : memref<!tpu.dma_semaphore, #tpu.memory_space<semaphore_mem>>) src(%arg6 : memref<800x128xi32, #tpu.memory_space<vmem>>) dst(%dma_wait3A_166 : memref<800x128xi32, #tpu.memory_space<hbm>>)
      tpu.yield
    }) : () -> ()
    %mul3A_139 = arith.constant 12800 : i32
    %mul3A_140 = arith.muli %add3A, %mul3A_139 : i32
    %add3A_141 = arith.constant 11200 : i32
    %add3A_142 = arith.addi %mul3A_140, %add3A_141 : i32
    "tpu.region"() ({
      %run_scoped3A = tpu.sem_alloc : memref<!tpu.dma_semaphore, #tpu.memory_space<semaphore_mem>>
      %dma_start3A_159 = tpu.memref_slice %arg3[%add3A_142] : memref<409600xi32, #tpu.memory_space<hbm>> -> memref<800xi32, #tpu.memory_space<hbm>>
      %dma_start3A_160 = tpu.memref_slice %arg3[%add3A_142] : memref<409600xi32, #tpu.memory_space<hbm>> -> memref<800xi32, #tpu.memory_space<hbm>>
      tpu.enqueue_dma source(%dma_start3A_160 : memref<800xi32, #tpu.memory_space<hbm>>) target(%arg5 : memref<800xi32, #tpu.memory_space<vmem>>) target_semaphore(%run_scoped3A : memref<!tpu.dma_semaphore, #tpu.memory_space<semaphore_mem>>)
      %dma_wait3A_161 = tpu.memref_slice %arg3[%add3A_142] : memref<409600xi32, #tpu.memory_space<hbm>> -> memref<800xi32, #tpu.memory_space<hbm>>
      %dma_wait3A_162 = tpu.memref_slice %arg3[%add3A_142] : memref<409600xi32, #tpu.memory_space<hbm>> -> memref<800xi32, #tpu.memory_space<hbm>>
      tpu.wait_dma2 semaphore(%run_scoped3A : memref<!tpu.dma_semaphore, #tpu.memory_space<semaphore_mem>>) src(%dma_wait3A_162 : memref<800xi32, #tpu.memory_space<hbm>>) dst(%arg5 : memref<800xi32, #tpu.memory_space<vmem>>)
      tpu.yield
    }) : () -> ()
    %dma_start3A_143 = arith.constant 0 : i32
    %dma_start3A_144 = arith.constant 0 : i32
    %dma_start3A_145 = tpu.memref_slice %arg2[%dma_start3A_143, %dma_start3A_144] : memref<784x128xi32, #tpu.memory_space<hbm>> -> memref<784x128xi32, #tpu.memory_space<hbm>>
    tpu.enqueue_indirect_dma source(%dma_start3A_145 : memref<784x128xi32, #tpu.memory_space<hbm>>) target(%arg6 : memref<800x128xi32, #tpu.memory_space<vmem>>) offsets(%arg5 : memref<800xi32, #tpu.memory_space<vmem>>) semaphore(%arg7 : memref<!tpu.dma_semaphore, #tpu.memory_space<semaphore_mem>>)
    %dma_wait3A_146 = arith.constant 0 : i32
    %dma_wait3A_147 = arith.constant 0 : i32
    %dma_wait3A_148 = tpu.memref_slice %arg2[%dma_wait3A_146, %dma_wait3A_147] : memref<784x128xi32, #tpu.memory_space<hbm>> -> memref<784x128xi32, #tpu.memory_space<hbm>>
    tpu.wait_indirect_dma semaphore(%arg7 : memref<!tpu.dma_semaphore, #tpu.memory_space<semaphore_mem>>) src(%dma_wait3A_148 : memref<784x128xi32, #tpu.memory_space<hbm>>) dst(%arg6 : memref<800x128xi32, #tpu.memory_space<vmem>>)
    "tpu.region"() ({
      %run_scoped3A = tpu.sem_alloc : memref<!tpu.dma_semaphore, #tpu.memory_space<semaphore_mem>>
      %dma_start3A_159 = arith.constant 0 : i32
      %dma_start3A_160 = tpu.memref_slice %arg4[%add3A_142, %dma_start3A_159] : memref<409600x128xi32, #tpu.memory_space<hbm>> -> memref<800x128xi32, #tpu.memory_space<hbm>>
      %dma_start3A_161 = arith.constant 0 : i32
      %dma_start3A_162 = tpu.memref_slice %arg4[%add3A_142, %dma_start3A_161] : memref<409600x128xi32, #tpu.memory_space<hbm>> -> memref<800x128xi32, #tpu.memory_space<hbm>>
      tpu.enqueue_dma source(%arg6 : memref<800x128xi32, #tpu.memory_space<vmem>>) target(%dma_start3A_162 : memref<800x128xi32, #tpu.memory_space<hbm>>) target_semaphore(%run_scoped3A : memref<!tpu.dma_semaphore, #tpu.memory_space<semaphore_mem>>)
      %dma_wait3A_163 = arith.constant 0 : i32
      %dma_wait3A_164 = tpu.memref_slice %arg4[%add3A_142, %dma_wait3A_163] : memref<409600x128xi32, #tpu.memory_space<hbm>> -> memref<800x128xi32, #tpu.memory_space<hbm>>
      %dma_wait3A_165 = arith.constant 0 : i32
      %dma_wait3A_166 = tpu.memref_slice %arg4[%add3A_142, %dma_wait3A_165] : memref<409600x128xi32, #tpu.memory_space<hbm>> -> memref<800x128xi32, #tpu.memory_space<hbm>>
      tpu.wait_dma2 semaphore(%run_scoped3A : memref<!tpu.dma_semaphore, #tpu.memory_space<semaphore_mem>>) src(%arg6 : memref<800x128xi32, #tpu.memory_space<vmem>>) dst(%dma_wait3A_166 : memref<800x128xi32, #tpu.memory_space<hbm>>)
      tpu.yield
    }) : () -> ()
    %mul3A_149 = arith.constant 12800 : i32
    %mul3A_150 = arith.muli %add3A, %mul3A_149 : i32
    %add3A_151 = arith.constant 12000 : i32
    %add3A_152 = arith.addi %mul3A_150, %add3A_151 : i32
    "tpu.region"() ({
      %run_scoped3A = tpu.sem_alloc : memref<!tpu.dma_semaphore, #tpu.memory_space<semaphore_mem>>
      %dma_start3A_159 = tpu.memref_slice %arg3[%add3A_152] : memref<409600xi32, #tpu.memory_space<hbm>> -> memref<800xi32, #tpu.memory_space<hbm>>
      %dma_start3A_160 = tpu.memref_slice %arg3[%add3A_152] : memref<409600xi32, #tpu.memory_space<hbm>> -> memref<800xi32, #tpu.memory_space<hbm>>
      tpu.enqueue_dma source(%dma_start3A_160 : memref<800xi32, #tpu.memory_space<hbm>>) target(%arg5 : memref<800xi32, #tpu.memory_space<vmem>>) target_semaphore(%run_scoped3A : memref<!tpu.dma_semaphore, #tpu.memory_space<semaphore_mem>>)
      %dma_wait3A_161 = tpu.memref_slice %arg3[%add3A_152] : memref<409600xi32, #tpu.memory_space<hbm>> -> memref<800xi32, #tpu.memory_space<hbm>>
      %dma_wait3A_162 = tpu.memref_slice %arg3[%add3A_152] : memref<409600xi32, #tpu.memory_space<hbm>> -> memref<800xi32, #tpu.memory_space<hbm>>
      tpu.wait_dma2 semaphore(%run_scoped3A : memref<!tpu.dma_semaphore, #tpu.memory_space<semaphore_mem>>) src(%dma_wait3A_162 : memref<800xi32, #tpu.memory_space<hbm>>) dst(%arg5 : memref<800xi32, #tpu.memory_space<vmem>>)
      tpu.yield
    }) : () -> ()
    %dma_start3A_153 = arith.constant 0 : i32
    %dma_start3A_154 = arith.constant 0 : i32
    %dma_start3A_155 = tpu.memref_slice %arg2[%dma_start3A_153, %dma_start3A_154] : memref<784x128xi32, #tpu.memory_space<hbm>> -> memref<784x128xi32, #tpu.memory_space<hbm>>
    tpu.enqueue_indirect_dma source(%dma_start3A_155 : memref<784x128xi32, #tpu.memory_space<hbm>>) target(%arg6 : memref<800x128xi32, #tpu.memory_space<vmem>>) offsets(%arg5 : memref<800xi32, #tpu.memory_space<vmem>>) semaphore(%arg7 : memref<!tpu.dma_semaphore, #tpu.memory_space<semaphore_mem>>)
    %dma_wait3A_156 = arith.constant 0 : i32
    %dma_wait3A_157 = arith.constant 0 : i32
    %dma_wait3A_158 = tpu.memref_slice %arg2[%dma_wait3A_156, %dma_wait3A_157] : memref<784x128xi32, #tpu.memory_space<hbm>> -> memref<784x128xi32, #tpu.memory_space<hbm>>
    tpu.wait_indirect_dma semaphore(%arg7 : memref<!tpu.dma_semaphore, #tpu.memory_space<semaphore_mem>>) src(%dma_wait3A_158 : memref<784x128xi32, #tpu.memory_space<hbm>>) dst(%arg6 : memref<800x128xi32, #tpu.memory_space<vmem>>)
    "tpu.region"() ({
      %run_scoped3A = tpu.sem_alloc : memref<!tpu.dma_semaphore, #tpu.memory_space<semaphore_mem>>
      %dma_start3A_159 = arith.constant 0 : i32
      %dma_start3A_160 = tpu.memref_slice %arg4[%add3A_152, %dma_start3A_159] : memref<409600x128xi32, #tpu.memory_space<hbm>> -> memref<800x128xi32, #tpu.memory_space<hbm>>
      %dma_start3A_161 = arith.constant 0 : i32
      %dma_start3A_162 = tpu.memref_slice %arg4[%add3A_152, %dma_start3A_161] : memref<409600x128xi32, #tpu.memory_space<hbm>> -> memref<800x128xi32, #tpu.memory_space<hbm>>
      tpu.enqueue_dma source(%arg6 : memref<800x128xi32, #tpu.memory_space<vmem>>) target(%dma_start3A_162 : memref<800x128xi32, #tpu.memory_space<hbm>>) target_semaphore(%run_scoped3A : memref<!tpu.dma_semaphore, #tpu.memory_space<semaphore_mem>>)
      %dma_wait3A_163 = arith.constant 0 : i32
      %dma_wait3A_164 = tpu.memref_slice %arg4[%add3A_152, %dma_wait3A_163] : memref<409600x128xi32, #tpu.memory_space<hbm>> -> memref<800x128xi32, #tpu.memory_space<hbm>>
      %dma_wait3A_165 = arith.constant 0 : i32
      %dma_wait3A_166 = tpu.memref_slice %arg4[%add3A_152, %dma_wait3A_165] : memref<409600x128xi32, #tpu.memory_space<hbm>> -> memref<800x128xi32, #tpu.memory_space<hbm>>
      tpu.wait_dma2 semaphore(%run_scoped3A : memref<!tpu.dma_semaphore, #tpu.memory_space<semaphore_mem>>) src(%arg6 : memref<800x128xi32, #tpu.memory_space<vmem>>) dst(%dma_wait3A_166 : memref<800x128xi32, #tpu.memory_space<hbm>>)
      tpu.yield
    }) : () -> ()
    return
  }
}

module attributes {stable_mosaic.version = 14 : i64} {
  func.func @_matmul_block(%arg0: i32, %arg1: i32, %arg2: memref<256x128xf32, #tpu.memory_space<vmem>>, %arg3: memref<128x2048xf32, #tpu.memory_space<vmem>>, %arg4: memref<256x2048xf32, #tpu.memory_space<vmem>>, %arg5: memref<256x128xf32, #tpu.memory_space<vmem>>) attributes {dimension_semantics = [#tpu.dimension_semantics<parallel>, #tpu.dimension_semantics<arbitrary>], iteration_bounds = array<i64: 16, 49>, scalar_prefetch = 0 : i64, scratch_operands = 0 : i64, tpu.core_type = #tpu.core_type<tc>, window_params = [{transform_indices = @transform_0, window_bounds = array<i64: 256, 128>}, {transform_indices = @transform_1, window_bounds = array<i64: 128, 2048>}, {transform_indices = @transform_2, window_bounds = array<i64: 256, 2048>}, {transform_indices = @transform_3, window_bounds = array<i64: 256, 128>}]} {
    %get3A = arith.constant 0 : index
    %get3A_0 = arith.constant 0 : index
    %get3A_1 = vector.load %arg2[%get3A, %get3A_0] : memref<256x128xf32, #tpu.memory_space<vmem>>, vector<256x128xf32>
    %get3A_2 = arith.constant 0 : index
    %get3A_3 = arith.constant 0 : index
    %get3A_4 = vector.load %arg3[%get3A_2, %get3A_3] : memref<128x2048xf32, #tpu.memory_space<vmem>>, vector<128x2048xf32>
    %dot_general3A = arith.constant dense<0.000000e+00> : vector<256x2048xf32>
    %dot_general3A_5 = tpu.matmul %get3A_1, %get3A_4, %dot_general3A {dimension_numbers = #tpu.dot_dimension_numbers<[1], [0], [0], [1], [0, 0, 1, 1], [], []>, transpose_lhs_hint = false} : vector<256x128xf32>, vector<128x2048xf32>, vector<256x2048xf32> -> vector<256x2048xf32>
    %mul3A = arith.constant 2048 : i32
    %mul3A_6 = arith.muli %arg1, %mul3A : i32
    %iota3A = tpu.iota {dimensions = array<i32: 1>} : vector<256x2048xi32>
    %add3A = vector.broadcast %mul3A_6 : i32 to vector<256x2048xi32>
    %add3A_7 = arith.addi %add3A, %iota3A : vector<256x2048xi32>
    %lt3A = arith.constant 100000 : i32
    %lt3A_8 = vector.broadcast %lt3A : i32 to vector<256x2048xi32>
    %lt3A_9 = arith.cmpi slt, %add3A_7, %lt3A_8 : vector<256x2048xi32>
    %jit3A = arith.constant 0xFF800000 : f32
    %broadcast_in_dim3A = vector.broadcast %jit3A : f32 to vector<256x2048xf32>
    %select_n3A = arith.select %lt3A_9, %dot_general3A_5, %broadcast_in_dim3A : vector<256x2048xi1>, vector<256x2048xf32>
    %swap3A = arith.constant 0 : index
    %swap3A_10 = arith.constant 0 : index
    %swap3A_11 = vector.load %arg4[%swap3A, %swap3A_10] : memref<256x2048xf32, #tpu.memory_space<vmem>>, vector<256x2048xf32>
    tpu.vector_store %arg4[%swap3A, %swap3A_10], %select_n3A {strides = array<i32>} : memref<256x2048xf32, #tpu.memory_space<vmem>>, vector<256x2048xf32>,
    %reshape3A = vector.shape_cast %select_n3A : vector<256x2048xf32> to vector<256x16x128xf32>
    %reduce_max3A = arith.constant dense<0xFF800000> : vector<256x128xf32>
    %reduce_max3A_12 = vector.multi_reduction <maximumf>, %reshape3A, %reduce_max3A [1] : vector<256x16x128xf32> to vector<256x128xf32>
    %swap3A_13 = arith.constant 0 : index
    %swap3A_14 = arith.constant 0 : index
    %swap3A_15 = vector.load %arg5[%swap3A_13, %swap3A_14] : memref<256x128xf32, #tpu.memory_space<vmem>>, vector<256x128xf32>
    tpu.vector_store %arg5[%swap3A_13, %swap3A_14], %reduce_max3A_12 {strides = array<i32>} : memref<256x128xf32, #tpu.memory_space<vmem>>, vector<256x128xf32>,
    return
  }
  func.func @transform_0(%arg0: i32, %arg1: i32) -> (i32, i32) {
    %c0_i32 = arith.constant 0 : i32
    %c0_i32_0 = arith.constant 0 : i32
    return %arg0, %c0_i32 : i32, i32
  }
  func.func @transform_1(%arg0: i32, %arg1: i32) -> (i32, i32) {
    %c0_i32 = arith.constant 0 : i32
    %c0_i32_0 = arith.constant 0 : i32
    return %c0_i32, %arg1 : i32, i32
  }
  func.func @transform_2(%arg0: i32, %arg1: i32) -> (i32, i32) {
    %c0_i32 = arith.constant 0 : i32
    return %arg0, %arg1 : i32, i32
  }
  func.func @transform_3(%arg0: i32, %arg1: i32) -> (i32, i32) {
    %c0_i32 = arith.constant 0 : i32
    return %arg0, %arg1 : i32, i32
  }
}

module attributes {stable_mosaic.version = 14 : i64} {
  func.func @_pop2_block(%arg0: i32, %arg1: memref<256x6272xf32, #tpu.memory_space<vmem>>, %arg2: memref<256x128xf32, #tpu.memory_space<vmem>>, %arg3: memref<256x128xi32, #tpu.memory_space<vmem>>) attributes {dimension_semantics = [#tpu.dimension_semantics<arbitrary>], iteration_bounds = array<i64: 16>, scalar_prefetch = 0 : i64, scratch_operands = 0 : i64, tpu.core_type = #tpu.core_type<tc>, window_params = [{transform_indices = @transform_0, window_bounds = array<i64: 256, 6272>}, {transform_indices = @transform_1, window_bounds = array<i64: 256, 128>}, {transform_indices = @transform_2, window_bounds = array<i64: 256, 128>}]} {
    %get3A = arith.constant 0 : index
    %get3A_0 = arith.constant 0 : index
    %get3A_1 = vector.load %arg1[%get3A, %get3A_0] : memref<256x6272xf32, #tpu.memory_space<vmem>>, vector<256x6272xf32>
    %broadcast_in_dim3A = arith.constant 0xFF800000 : f32
    %broadcast_in_dim3A_2 = vector.broadcast %broadcast_in_dim3A : f32 to vector<256x896xf32>
    %concatenate3A = tpu.concatenate %get3A_1, %broadcast_in_dim3A_2 in 1 : vector<256x6272xf32>, vector<256x896xf32> -> vector<256x7168xf32>
    %reshape3A = vector.shape_cast %concatenate3A : vector<256x7168xf32> to vector<256x8x896xf32>
    %reduce_max3A = arith.constant dense<0xFF800000> : vector<256x896xf32>
    %reduce_max3A_3 = vector.multi_reduction <maximumf>, %reshape3A, %reduce_max3A [1] : vector<256x8x896xf32> to vector<256x896xf32>
    %broadcast_in_dim3A_4 = arith.constant 0xFF800000 : f32
    %broadcast_in_dim3A_5 = vector.broadcast %broadcast_in_dim3A_4 : f32 to vector<256x128xf32>
    %concatenate3A_6 = tpu.concatenate %reduce_max3A_3, %broadcast_in_dim3A_5 in 1 : vector<256x896xf32>, vector<256x128xf32> -> vector<256x1024xf32>
    %iota3A = tpu.iota {dimensions = array<i32: 1>} : vector<256x1024xi32>
    %iota3A_7 = tpu.iota {dimensions = array<i32: 1>} : vector<256x128xi32>
    %broadcast_in_dim3A_8 = arith.constant 0xFF800000 : f32
    %broadcast_in_dim3A_9 = vector.broadcast %broadcast_in_dim3A_8 : f32 to vector<256x128xf32>
    %broadcast_in_dim3A_10 = arith.constant -1 : i32
    %broadcast_in_dim3A_11 = vector.broadcast %broadcast_in_dim3A_10 : i32 to vector<256x128xi32>
    %scan3A = arith.constant 0 : i32
    %scan3A_12 = arith.constant 100 : i32
    %scan3A_13 = arith.addi %scan3A, %scan3A_12 : i32
    %scan3A_14 = arith.constant 1 : i32
    %scan3A_15:3 = scf.for %scan3A_22 = %scan3A to %scan3A_13 step %scan3A_14 iter_args(%scan3A_23 = %concatenate3A_6, %scan3A_24 = %broadcast_in_dim3A_9, %scan3A_25 = %broadcast_in_dim3A_11) -> (vector<256x1024xf32>, vector<256x128xf32>, vector<256x128xi32>)  : i32 {
      %reduce_max3A_26 = arith.constant dense<0xFF800000> : vector<256xf32>
      %reduce_max3A_27 = vector.multi_reduction <maximumf>, %scan3A_23, %reduce_max3A_26 [1] : vector<256x1024xf32> to vector<256xf32>
      %broadcast_in_dim3A_28 = vector.shape_cast %reduce_max3A_27 : vector<256xf32> to vector<256x1xf32>
      %eq3A = vector.broadcast %broadcast_in_dim3A_28 : vector<256x1xf32> to vector<256x1024xf32>
      %eq3A_29 = arith.cmpf oeq, %scan3A_23, %eq3A : vector<256x1024xf32>
      %jit3A = arith.constant 1073741824 : i32
      %broadcast_in_dim3A_30 = vector.broadcast %jit3A : i32 to vector<256x1024xi32>
      %select_n3A = arith.select %eq3A_29, %iota3A, %broadcast_in_dim3A_30 : vector<256x1024xi1>, vector<256x1024xi32>
      %reduce_min3A = arith.constant dense<2147483647> : vector<256xi32>
      %reduce_min3A_31 = vector.multi_reduction <minsi>, %select_n3A, %reduce_min3A [1] : vector<256x1024xi32> to vector<256xi32>
      %broadcast_in_dim3A_32 = vector.shape_cast %reduce_min3A_31 : vector<256xi32> to vector<256x1xi32>
      %eq3A_33 = vector.broadcast %broadcast_in_dim3A_32 : vector<256x1xi32> to vector<256x1024xi32>
      %eq3A_34 = arith.cmpi eq, %iota3A, %eq3A_33 : vector<256x1024xi32>
      %jit3A_35 = arith.constant 0xFF800000 : f32
      %broadcast_in_dim3A_36 = vector.broadcast %jit3A_35 : f32 to vector<256x1024xf32>
      %select_n3A_37 = arith.select %eq3A_34, %broadcast_in_dim3A_36, %scan3A_23 : vector<256x1024xi1>, vector<256x1024xf32>
      %eq3A_38 = vector.broadcast %scan3A_22 : i32 to vector<256x128xi32>
      %eq3A_39 = arith.cmpi eq, %iota3A_7, %eq3A_38 : vector<256x128xi32>
      %broadcast_in_dim3A_40 = vector.shape_cast %broadcast_in_dim3A_28 : vector<256x1xf32> to vector<256x1xf32>
      %broadcast_in_dim3A_41 = vector.broadcast %broadcast_in_dim3A_40 : vector<256x1xf32> to vector<256x128xf32>
      %select_n3A_42 = arith.select %eq3A_39, %broadcast_in_dim3A_41, %scan3A_24 : vector<256x128xi1>, vector<256x128xf32>
      %eq3A_43 = vector.broadcast %scan3A_22 : i32 to vector<256x128xi32>
      %eq3A_44 = arith.cmpi eq, %iota3A_7, %eq3A_43 : vector<256x128xi32>
      %broadcast_in_dim3A_45 = vector.shape_cast %broadcast_in_dim3A_32 : vector<256x1xi32> to vector<256x1xi32>
      %broadcast_in_dim3A_46 = vector.broadcast %broadcast_in_dim3A_45 : vector<256x1xi32> to vector<256x128xi32>
      %select_n3A_47 = arith.select %eq3A_44, %broadcast_in_dim3A_46, %scan3A_25 : vector<256x128xi1>, vector<256x128xi32>
      scf.yield %select_n3A_37, %select_n3A_42, %select_n3A_47 : vector<256x1024xf32>, vector<256x128xf32>, vector<256x128xi32>
    }
    %scan3A_16 = arith.constant 100 : i32
    %swap3A = arith.constant 0 : index
    %swap3A_17 = arith.constant 0 : index
    %swap3A_18 = vector.load %arg2[%swap3A, %swap3A_17] : memref<256x128xf32, #tpu.memory_space<vmem>>, vector<256x128xf32>
    tpu.vector_store %arg2[%swap3A, %swap3A_17], %scan3A_15#1 {strides = array<i32>} : memref<256x128xf32, #tpu.memory_space<vmem>>, vector<256x128xf32>,
    %swap3A_19 = arith.constant 0 : index
    %swap3A_20 = arith.constant 0 : index
    %swap3A_21 = vector.load %arg3[%swap3A_19, %swap3A_20] : memref<256x128xi32, #tpu.memory_space<vmem>>, vector<256x128xi32>
    tpu.vector_store %arg3[%swap3A_19, %swap3A_20], %scan3A_15#2 {strides = array<i32>} : memref<256x128xi32, #tpu.memory_space<vmem>>, vector<256x128xi32>,
    return
  }
  func.func @transform_0(%arg0: i32) -> (i32, i32) {
    %c0_i32 = arith.constant 0 : i32
    %c0_i32_0 = arith.constant 0 : i32
    return %arg0, %c0_i32 : i32, i32
  }
  func.func @transform_1(%arg0: i32) -> (i32, i32) {
    %c0_i32 = arith.constant 0 : i32
    %c0_i32_0 = arith.constant 0 : i32
    return %arg0, %c0_i32 : i32, i32
  }
  func.func @transform_2(%arg0: i32) -> (i32, i32) {
    %c0_i32 = arith.constant 0 : i32
    %c0_i32_0 = arith.constant 0 : i32
    return %arg0, %c0_i32 : i32, i32
  }
}

module attributes {stable_mosaic.version = 14 : i64} {
  func.func @_popk_block(%arg0: i32, %arg1: memref<256x1024xf32, #tpu.memory_space<vmem>>, %arg2: memref<256x1024xi32, #tpu.memory_space<vmem>>, %arg3: memref<256x128xf32, #tpu.memory_space<vmem>>, %arg4: memref<256x128xi32, #tpu.memory_space<vmem>>) attributes {dimension_semantics = [#tpu.dimension_semantics<arbitrary>], iteration_bounds = array<i64: 16>, scalar_prefetch = 0 : i64, scratch_operands = 0 : i64, tpu.core_type = #tpu.core_type<tc>, window_params = [{transform_indices = @transform_0, window_bounds = array<i64: 256, 1024>}, {transform_indices = @transform_1, window_bounds = array<i64: 256, 1024>}, {transform_indices = @transform_2, window_bounds = array<i64: 256, 128>}, {transform_indices = @transform_3, window_bounds = array<i64: 256, 128>}]} {
    %get3A = arith.constant 0 : index
    %get3A_0 = arith.constant 0 : index
    %get3A_1 = vector.load %arg1[%get3A, %get3A_0] : memref<256x1024xf32, #tpu.memory_space<vmem>>, vector<256x1024xf32>
    %get3A_2 = arith.constant 0 : index
    %get3A_3 = arith.constant 0 : index
    %get3A_4 = vector.load %arg2[%get3A_2, %get3A_3] : memref<256x1024xi32, #tpu.memory_space<vmem>>, vector<256x1024xi32>
    %iota3A = tpu.iota {dimensions = array<i32: 1>} : vector<256x128xi32>
    %broadcast_in_dim3A = arith.constant 0xFF800000 : f32
    %broadcast_in_dim3A_5 = vector.broadcast %broadcast_in_dim3A : f32 to vector<256x128xf32>
    %broadcast_in_dim3A_6 = arith.constant -1 : i32
    %broadcast_in_dim3A_7 = vector.broadcast %broadcast_in_dim3A_6 : i32 to vector<256x128xi32>
    %scan3A = arith.constant 0 : i32
    %scan3A_8 = arith.constant 100 : i32
    %scan3A_9 = arith.addi %scan3A, %scan3A_8 : i32
    %scan3A_10 = arith.constant 1 : i32
    %scan3A_11:3 = scf.for %scan3A_18 = %scan3A to %scan3A_9 step %scan3A_10 iter_args(%scan3A_19 = %get3A_1, %scan3A_20 = %broadcast_in_dim3A_5, %scan3A_21 = %broadcast_in_dim3A_7) -> (vector<256x1024xf32>, vector<256x128xf32>, vector<256x128xi32>)  : i32 {
      %reduce_max3A = arith.constant dense<0xFF800000> : vector<256xf32>
      %reduce_max3A_22 = vector.multi_reduction <maximumf>, %scan3A_19, %reduce_max3A [1] : vector<256x1024xf32> to vector<256xf32>
      %broadcast_in_dim3A_23 = vector.shape_cast %reduce_max3A_22 : vector<256xf32> to vector<256x1xf32>
      %eq3A = vector.broadcast %broadcast_in_dim3A_23 : vector<256x1xf32> to vector<256x1024xf32>
      %eq3A_24 = arith.cmpf oeq, %scan3A_19, %eq3A : vector<256x1024xf32>
      %jit3A = arith.constant 1073741824 : i32
      %broadcast_in_dim3A_25 = vector.broadcast %jit3A : i32 to vector<256x1024xi32>
      %select_n3A = arith.select %eq3A_24, %get3A_4, %broadcast_in_dim3A_25 : vector<256x1024xi1>, vector<256x1024xi32>
      %reduce_min3A = arith.constant dense<2147483647> : vector<256xi32>
      %reduce_min3A_26 = vector.multi_reduction <minsi>, %select_n3A, %reduce_min3A [1] : vector<256x1024xi32> to vector<256xi32>
      %broadcast_in_dim3A_27 = vector.shape_cast %reduce_min3A_26 : vector<256xi32> to vector<256x1xi32>
      %eq3A_28 = vector.broadcast %broadcast_in_dim3A_27 : vector<256x1xi32> to vector<256x1024xi32>
      %eq3A_29 = arith.cmpi eq, %get3A_4, %eq3A_28 : vector<256x1024xi32>
      %jit3A_30 = arith.constant 0xFF800000 : f32
      %broadcast_in_dim3A_31 = vector.broadcast %jit3A_30 : f32 to vector<256x1024xf32>
      %select_n3A_32 = arith.select %eq3A_29, %broadcast_in_dim3A_31, %scan3A_19 : vector<256x1024xi1>, vector<256x1024xf32>
      %eq3A_33 = vector.broadcast %scan3A_18 : i32 to vector<256x128xi32>
      %eq3A_34 = arith.cmpi eq, %iota3A, %eq3A_33 : vector<256x128xi32>
      %broadcast_in_dim3A_35 = vector.shape_cast %broadcast_in_dim3A_23 : vector<256x1xf32> to vector<256x1xf32>
      %broadcast_in_dim3A_36 = vector.broadcast %broadcast_in_dim3A_35 : vector<256x1xf32> to vector<256x128xf32>
      %select_n3A_37 = arith.select %eq3A_34, %broadcast_in_dim3A_36, %scan3A_20 : vector<256x128xi1>, vector<256x128xf32>
      %eq3A_38 = vector.broadcast %scan3A_18 : i32 to vector<256x128xi32>
      %eq3A_39 = arith.cmpi eq, %iota3A, %eq3A_38 : vector<256x128xi32>
      %broadcast_in_dim3A_40 = vector.shape_cast %broadcast_in_dim3A_27 : vector<256x1xi32> to vector<256x1xi32>
      %broadcast_in_dim3A_41 = vector.broadcast %broadcast_in_dim3A_40 : vector<256x1xi32> to vector<256x128xi32>
      %select_n3A_42 = arith.select %eq3A_39, %broadcast_in_dim3A_41, %scan3A_21 : vector<256x128xi1>, vector<256x128xi32>
      scf.yield %select_n3A_32, %select_n3A_37, %select_n3A_42 : vector<256x1024xf32>, vector<256x128xf32>, vector<256x128xi32>
    }
    %scan3A_12 = arith.constant 100 : i32
    %swap3A = arith.constant 0 : index
    %swap3A_13 = arith.constant 0 : index
    %swap3A_14 = vector.load %arg3[%swap3A, %swap3A_13] : memref<256x128xf32, #tpu.memory_space<vmem>>, vector<256x128xf32>
    tpu.vector_store %arg3[%swap3A, %swap3A_13], %scan3A_11#1 {strides = array<i32>} : memref<256x128xf32, #tpu.memory_space<vmem>>, vector<256x128xf32>,
    %swap3A_15 = arith.constant 0 : index
    %swap3A_16 = arith.constant 0 : index
    %swap3A_17 = vector.load %arg4[%swap3A_15, %swap3A_16] : memref<256x128xi32, #tpu.memory_space<vmem>>, vector<256x128xi32>
    tpu.vector_store %arg4[%swap3A_15, %swap3A_16], %scan3A_11#2 {strides = array<i32>} : memref<256x128xi32, #tpu.memory_space<vmem>>, vector<256x128xi32>,
    return
  }
  func.func @transform_0(%arg0: i32) -> (i32, i32) {
    %c0_i32 = arith.constant 0 : i32
    %c0_i32_0 = arith.constant 0 : i32
    return %arg0, %c0_i32 : i32, i32
  }
  func.func @transform_1(%arg0: i32) -> (i32, i32) {
    %c0_i32 = arith.constant 0 : i32
    %c0_i32_0 = arith.constant 0 : i32
    return %arg0, %c0_i32 : i32, i32
  }
  func.func @transform_2(%arg0: i32) -> (i32, i32) {
    %c0_i32 = arith.constant 0 : i32
    %c0_i32_0 = arith.constant 0 : i32
    return %arg0, %c0_i32 : i32, i32
  }
  func.func @transform_3(%arg0: i32) -> (i32, i32) {
    %c0_i32 = arith.constant 0 : i32
    %c0_i32_0 = arith.constant 0 : i32
    return %arg0, %c0_i32 : i32, i32
  }
}

module attributes {stable_mosaic.version = 14 : i64} {
  func.func @_popk_block(%arg0: i32, %arg1: memref<256x1664xf32, #tpu.memory_space<vmem>>, %arg2: memref<256x1664xi32, #tpu.memory_space<vmem>>, %arg3: memref<256x128xf32, #tpu.memory_space<vmem>>, %arg4: memref<256x128xi32, #tpu.memory_space<vmem>>) attributes {dimension_semantics = [#tpu.dimension_semantics<arbitrary>], iteration_bounds = array<i64: 16>, scalar_prefetch = 0 : i64, scratch_operands = 0 : i64, tpu.core_type = #tpu.core_type<tc>, window_params = [{transform_indices = @transform_0, window_bounds = array<i64: 256, 1664>}, {transform_indices = @transform_1, window_bounds = array<i64: 256, 1664>}, {transform_indices = @transform_2, window_bounds = array<i64: 256, 128>}, {transform_indices = @transform_3, window_bounds = array<i64: 256, 128>}]} {
    %get3A = arith.constant 0 : index
    %get3A_0 = arith.constant 0 : index
    %get3A_1 = vector.load %arg1[%get3A, %get3A_0] : memref<256x1664xf32, #tpu.memory_space<vmem>>, vector<256x1664xf32>
    %get3A_2 = arith.constant 0 : index
    %get3A_3 = arith.constant 0 : index
    %get3A_4 = vector.load %arg2[%get3A_2, %get3A_3] : memref<256x1664xi32, #tpu.memory_space<vmem>>, vector<256x1664xi32>
    %iota3A = tpu.iota {dimensions = array<i32: 1>} : vector<256x128xi32>
    %broadcast_in_dim3A = arith.constant 0xFF800000 : f32
    %broadcast_in_dim3A_5 = vector.broadcast %broadcast_in_dim3A : f32 to vector<256x128xf32>
    %broadcast_in_dim3A_6 = arith.constant -1 : i32
    %broadcast_in_dim3A_7 = vector.broadcast %broadcast_in_dim3A_6 : i32 to vector<256x128xi32>
    %scan3A = arith.constant 0 : i32
    %scan3A_8 = arith.constant 100 : i32
    %scan3A_9 = arith.addi %scan3A, %scan3A_8 : i32
    %scan3A_10 = arith.constant 1 : i32
    %scan3A_11:3 = scf.for %scan3A_18 = %scan3A to %scan3A_9 step %scan3A_10 iter_args(%scan3A_19 = %get3A_1, %scan3A_20 = %broadcast_in_dim3A_5, %scan3A_21 = %broadcast_in_dim3A_7) -> (vector<256x1664xf32>, vector<256x128xf32>, vector<256x128xi32>)  : i32 {
      %reduce_max3A = arith.constant dense<0xFF800000> : vector<256xf32>
      %reduce_max3A_22 = vector.multi_reduction <maximumf>, %scan3A_19, %reduce_max3A [1] : vector<256x1664xf32> to vector<256xf32>
      %broadcast_in_dim3A_23 = vector.shape_cast %reduce_max3A_22 : vector<256xf32> to vector<256x1xf32>
      %eq3A = vector.broadcast %broadcast_in_dim3A_23 : vector<256x1xf32> to vector<256x1664xf32>
      %eq3A_24 = arith.cmpf oeq, %scan3A_19, %eq3A : vector<256x1664xf32>
      %jit3A = arith.constant 1073741824 : i32
      %broadcast_in_dim3A_25 = vector.broadcast %jit3A : i32 to vector<256x1664xi32>
      %select_n3A = arith.select %eq3A_24, %get3A_4, %broadcast_in_dim3A_25 : vector<256x1664xi1>, vector<256x1664xi32>
      %reduce_min3A = arith.constant dense<2147483647> : vector<256xi32>
      %reduce_min3A_26 = vector.multi_reduction <minsi>, %select_n3A, %reduce_min3A [1] : vector<256x1664xi32> to vector<256xi32>
      %broadcast_in_dim3A_27 = vector.shape_cast %reduce_min3A_26 : vector<256xi32> to vector<256x1xi32>
      %eq3A_28 = vector.broadcast %broadcast_in_dim3A_27 : vector<256x1xi32> to vector<256x1664xi32>
      %eq3A_29 = arith.cmpi eq, %get3A_4, %eq3A_28 : vector<256x1664xi32>
      %jit3A_30 = arith.constant 0xFF800000 : f32
      %broadcast_in_dim3A_31 = vector.broadcast %jit3A_30 : f32 to vector<256x1664xf32>
      %select_n3A_32 = arith.select %eq3A_29, %broadcast_in_dim3A_31, %scan3A_19 : vector<256x1664xi1>, vector<256x1664xf32>
      %eq3A_33 = vector.broadcast %scan3A_18 : i32 to vector<256x128xi32>
      %eq3A_34 = arith.cmpi eq, %iota3A, %eq3A_33 : vector<256x128xi32>
      %broadcast_in_dim3A_35 = vector.shape_cast %broadcast_in_dim3A_23 : vector<256x1xf32> to vector<256x1xf32>
      %broadcast_in_dim3A_36 = vector.broadcast %broadcast_in_dim3A_35 : vector<256x1xf32> to vector<256x128xf32>
      %select_n3A_37 = arith.select %eq3A_34, %broadcast_in_dim3A_36, %scan3A_20 : vector<256x128xi1>, vector<256x128xf32>
      %eq3A_38 = vector.broadcast %scan3A_18 : i32 to vector<256x128xi32>
      %eq3A_39 = arith.cmpi eq, %iota3A, %eq3A_38 : vector<256x128xi32>
      %broadcast_in_dim3A_40 = vector.shape_cast %broadcast_in_dim3A_27 : vector<256x1xi32> to vector<256x1xi32>
      %broadcast_in_dim3A_41 = vector.broadcast %broadcast_in_dim3A_40 : vector<256x1xi32> to vector<256x128xi32>
      %select_n3A_42 = arith.select %eq3A_39, %broadcast_in_dim3A_41, %scan3A_21 : vector<256x128xi1>, vector<256x128xi32>
      scf.yield %select_n3A_32, %select_n3A_37, %select_n3A_42 : vector<256x1664xf32>, vector<256x128xf32>, vector<256x128xi32>
    }
    %scan3A_12 = arith.constant 100 : i32
    %swap3A = arith.constant 0 : index
    %swap3A_13 = arith.constant 0 : index
    %swap3A_14 = vector.load %arg3[%swap3A, %swap3A_13] : memref<256x128xf32, #tpu.memory_space<vmem>>, vector<256x128xf32>
    tpu.vector_store %arg3[%swap3A, %swap3A_13], %scan3A_11#1 {strides = array<i32>} : memref<256x128xf32, #tpu.memory_space<vmem>>, vector<256x128xf32>,
    %swap3A_15 = arith.constant 0 : index
    %swap3A_16 = arith.constant 0 : index
    %swap3A_17 = vector.load %arg4[%swap3A_15, %swap3A_16] : memref<256x128xi32, #tpu.memory_space<vmem>>, vector<256x128xi32>
    tpu.vector_store %arg4[%swap3A_15, %swap3A_16], %scan3A_11#2 {strides = array<i32>} : memref<256x128xi32, #tpu.memory_space<vmem>>, vector<256x128xi32>,
    return
  }
  func.func @transform_0(%arg0: i32) -> (i32, i32) {
    %c0_i32 = arith.constant 0 : i32
    %c0_i32_0 = arith.constant 0 : i32
    return %arg0, %c0_i32 : i32, i32
  }
  func.func @transform_1(%arg0: i32) -> (i32, i32) {
    %c0_i32 = arith.constant 0 : i32
    %c0_i32_0 = arith.constant 0 : i32
    return %arg0, %c0_i32 : i32, i32
  }
  func.func @transform_2(%arg0: i32) -> (i32, i32) {
    %c0_i32 = arith.constant 0 : i32
    %c0_i32_0 = arith.constant 0 : i32
    return %arg0, %c0_i32 : i32, i32
  }
  func.func @transform_3(%arg0: i32) -> (i32, i32) {
    %c0_i32 = arith.constant 0 : i32
    %c0_i32_0 = arith.constant 0 : i32
    return %arg0, %c0_i32 : i32, i32
  }
}

</mosaic_0001>

<sc_bundles>
// kernel: gather_offload_async_start.1
scs
__scs_entry_jumppad:
0x0: {  	(pc) =	sbr.rel $0x88, $3  }
0x1: {  	(tag) =	ssettag $0x0;
	lr =	simm.s32 $0x1  }
0x2: {  	[smem:$0x3F9E] =	sst lr;
	_ =	strace $0xD0000000  }
0x3: {  	_ = 	snop  }
0x4: {  	_ = 	snop  }
0x5: {  	_ = 	snop  }
0x6: {  	_ = 	snop  }
0x7: {  	_ = 	snop  }
__scs_overlays_trampoline_lowered:
0x8: {  	[smem:$0x3FAD] =	sst s0  }
0x9: {  	[smem:$0x3FAE] =	sst s1  }
0xa: {  	[smem:$0x3FAF] =	sst s2  }
0xb: {  	[smem:$0x3FB0] =	sst s3  }
0xc: {  	[smem:$0x3FB1] =	sst s4  }
0xd: {  	[smem:$0x3FB2] =	sst s5  }
0xe: {  	[smem:$0x3FB3] =	sst s6  }
0xf: {  	[smem:$0x3FB4] =	sst s7  }
0x10: {  	[smem:$0x3FB5] =	sst s8  }
0x11: {  	[smem:$0x3FB6] =	sst s9;
	s0 =	simm.s32 @!p0 $0x0  }
0x12: {  	s1 =	sld [smem:$0x3F9C];
	s0 =	simm.s32 @p0 $0x1  }
0x13: {  	[smem:$0x3FB7] =	sst s0;
	s0 =	simm.s32 @!p1 $0x0  }
0x14: {  	s2 =	sld [smem:$0x3F9B];
	s0 =	simm.s32 @p1 $0x1  }
0x15: {  	[smem:$0x3FB8] =	sst s0;
	s0 =	simm.s32 @!p2 $0x0  }
0x16: {  	s3 =	sld [smem:$0x3FDB];
	s0 =	simm.s32 @p2 $0x1  }
0x17: {  	s4 =	simm.s32 $0x1BF5;
	[smem:$0x3FBA] =	sst s0  }
0x18: {  	s0 =	sld [smem:$0x3F9D];
	_ =	swait.ge [sflag:s4], $0x0  }
0x19: {  	s7 =	sld [smem:$0x3F9E]  }
0x1a: {  	s8 =	sadd.s32 $0xFFFFE003, lr  }
0x1b: {  	s9 =	sadd.s32 $0xFFFFFEF7, lr;
	s5 =	simm.s32 $0xFFFFFFFF;
	p2 =	slt.u32 s8, $0xFFFFF086  }
0x1c: {  	p1 =	slt.u32 s9, $0xF7A;
	s5 =	simm.s32 @!p2 $0x0  }
0x1d: {  	s5 =	simm.s32 @p1 $0x1;
	p0 =	seq.s32 s7, s2  }
0x1e: {  	s7 =	smul.u32 @!p0 $0xF7A, s2;
	p2 =	seq.s32 @!p0 s5, $0x0  }
0x1f: {  	s9 =	smul.u32 $0xF7A, s1;
	s8 =	simm.s32 @!p0 $0x1BF5;
	p2 =	por !p2, p0  }
0x20: {  	[sflag:s8] =	ssyncset.s32 @!p0 $0xFFFFF086;
	s6 =	sadd.s32 @!p0 s3, s7;
	s7 =	simm.s32 @!p0 $0x108  }
0x21: {  	s3 =	sadd.s32 s3, s9;
	s6 =	sadd.s32 @!p0 $0x88, s6;
	s7 =	simm.s32 @p2 $0x1082  }
0x22: {  	[simem:s7], [sflag:s8] =	dma.local @!p0 [hbm:s6], $0xF7A  }
0x23: {  	s9 =	sor.u32 $0xD0000000, s2;
	s6 =	simm.s32 $0x108;
	_ =	swait.ge @!p0 [sflag:s8], $0x0  }
0x24: {  	s3 =	sadd.s32 $0x88, s3;
	s6 =	simm.s32 @!p1 $0x1082;
	[sflag:s4] =	ssyncset.s32 $0xFFFFF086  }
0x25: {  	[simem:s6], [sflag:s4] =	dma.local [hbm:s3], $0xF7A  }
0x26: {  	[smem:$0x3F9E] =	sst s1;
	(tag) =	ssettag s2;
	_ =	strace s9  }
0x27: {  	s1 =	sld [smem:$0x3FAE]  }
0x28: {  	s2 =	sld [smem:$0x3FAF]  }
0x29: {  	s4 =	sld [smem:$0x3FB1]  }
0x2a: {  	p0 =	seq.s32 s5, $0x0;
	s5 =	sld [smem:$0x3FB2]  }
0x2b: {  	s6 =	sld [smem:$0x3FB3]  }
0x2c: {  	s7 =	sld [smem:$0x3FB4]  }
0x2d: {  	s3 =	simm.s32 $0x108;
	s8 =	sld [smem:$0x3FB5]  }
0x2e: {  	s3 =	simm.s32 @!p0 $0x1082;
	s9 =	sld [smem:$0x3FB6]  }
0x2f: {  	lr =	sadd.s32 s0, s3;
	s0 =	sld [smem:$0x3FAD]  }
0x30: {  	s3 =	sld [smem:$0x3FB0]  }
0x31: {  	[smem:$0x3FB9] =	sst s10  }
0x32: {  	s10 =	sld [smem:$0x3FB7];
	_ =	sdelay $0x3  }
0x33: {  	p0 =	seq.s32 s10, $0x1;
	s10 =	sld [smem:$0x3FB9];
	_ =	sdelay $0x3  }
0x34: {  	[smem:$0x3FB9] =	sst s10  }
0x35: {  	s10 =	sld [smem:$0x3FB8];
	_ =	sdelay $0x3  }
0x36: {  	p1 =	seq.s32 s10, $0x1;
	s10 =	sld [smem:$0x3FB9];
	_ =	sdelay $0x3  }
0x37: {  	[smem:$0x3FB9] =	sst s10  }
0x38: {  	s10 =	sld [smem:$0x3FBA]  }
0x39: {  	_ = 	snop;
	(pc) =	sbr.ind lr, $3  }
0x3a: {  	_ = 	snop  }
0x3b: {  	_ = 	snop  }
0x3c: {  	p2 =	seq.s32 s10, $0x1;
	s10 =	sld [smem:$0x3FB9]  }
0x3d: {  	_ =	shalt  }
0x3e: {  	_ =	shalt  }
0x3f: {  	_ =	shalt  }
0x40: {  	_ =	shalt  }
0x41: {  	_ =	shalt  }
0x42: {  	_ =	shalt  }
0x43: {  	_ =	shalt  }
0x44: {  	_ =	shalt  }
0x45: {  	_ =	shalt  }
0x46: {  	_ =	shalt  }
0x47: {  	_ =	shalt  }
0x48: {  	_ =	shalt  }
0x49: {  	_ =	shalt  }
0x4a: {  	_ =	shalt  }
0x4b: {  	_ =	shalt  }
0x4c: {  	_ =	shalt  }
0x4d: {  	_ =	shalt  }
0x4e: {  	_ =	shalt  }
0x4f: {  	_ =	shalt  }
0x50: {  	_ =	shalt  }
0x51: {  	_ =	shalt  }
0x52: {  	_ =	shalt  }
0x53: {  	_ =	shalt  }
0x54: {  	_ =	shalt  }
0x55: {  	_ =	shalt  }
0x56: {  	_ =	shalt  }
0x57: {  	_ =	shalt  }
0x58: {  	_ =	shalt  }
0x59: {  	_ =	shalt  }
0x5a: {  	_ =	shalt  }
0x5b: {  	_ =	shalt  }
0x5c: {  	_ =	shalt  }
0x5d: {  	_ =	shalt  }
0x5e: {  	_ =	shalt  }
0x5f: {  	_ =	shalt  }
0x60: {  	_ =	shalt  }
0x61: {  	_ =	shalt  }
0x62: {  	_ =	shalt  }
0x63: {  	_ =	shalt  }
0x64: {  	_ =	shalt  }
0x65: {  	_ =	shalt  }
0x66: {  	_ =	shalt  }
0x67: {  	_ =	shalt  }
0x68: {  	_ =	shalt  }
0x69: {  	_ =	shalt  }
0x6a: {  	_ =	shalt  }
0x6b: {  	_ =	shalt  }
0x6c: {  	_ =	shalt  }
0x6d: {  	_ =	shalt  }
0x6e: {  	_ =	shalt  }
0x6f: {  	_ =	shalt  }
0x70: {  	_ =	shalt  }
0x71: {  	_ =	shalt  }
0x72: {  	_ =	shalt  }
0x73: {  	_ =	shalt  }
0x74: {  	_ =	shalt  }
0x75: {  	_ =	shalt  }
0x76: {  	_ =	shalt  }
0x77: {  	_ =	shalt  }
0x78: {  	_ =	shalt  }
0x79: {  	_ =	shalt  }
0x7a: {  	_ =	shalt  }
0x7b: {  	_ =	shalt  }
0x7c: {  	_ =	shalt  }
0x7d: {  	_ =	shalt  }
0x7e: {  	_ =	shalt  }
0x7f: {  	_ =	shalt  }
0x80: {  	_ =	shalt  }
0x81: {  	_ =	shalt  }
0x82: {  	_ =	shalt  }
0x83: {  	_ =	shalt  }
0x84: {  	_ =	shalt  }
0x85: {  	_ =	shalt  }
0x86: {  	_ =	shalt  }
0x87: {  	_ =	shalt  }
.Lfunc_end0:
.L_simem_size_0:
called_computation.1_lowered:
.L_overlay_start_0:
0x88: {  	s2 =	sld [smem:$0x3FD9]  }
0x89: {  	s3 =	sld [smem:$0x3FFE];
	_ =	sdelay $0x1  }
0x8a: {  	s1 =	srdreg.scid  }
0x8b: {  	s0 =	sand.u32 $0x1, s1  }
0x8c: {  	s16 =	sshll.u32 s0, $0xA;
	s2 =	sadd.s32 s3, s2  }
0x8d: {  	s2 =	sadd.s32 s2, s16  }
0x8e: {  	[smem:$0x3FC5] =	sst s2  }
0x8f: {  	_ = 	snop  }
0x90: {  	(tm) =	ssettm $0x1  }
0x91: {  	s17 =	sld [smem:$0x3FFB];
	_ =	sdelay $0x3  }
0x92: {  	_ =	strace s17  }
0x93: {  	s2 =	sld [smem:$0x3FFC];
	_ =	sdelay $0x3  }
0x94: {  	_ =	strace s2  }
0x95: {  	s2 =	sld [smem:$0x3FFD];
	_ =	sdelay $0x3  }
0x96: {  	_ =	strace s2  }
0x97: {  	_ =	strace $0x8FFFFFFF  }
0x98: {  	s18 =	sld [smem:$0x3FDB];
	_ =	sdelay $0x1  }
0x99: {  	s19 =	simm.s32 $_scs_section_size  }
0x9a: {  	s4 =	simm.s32 $_size__tile_overlayer_lowered;
	s5 =	simm.s32 $_tile_overlayer_lowered  }
0x9b: {  	s22 =	simm.s32 $0x1BFF;
	s21 =	sshll.u32 s5, $0x1;
	s2 =	sadd.s32 s19, s18  }
0x9c: {  	s6 =	simm.s32 $0x0;
	s20 =	sshll.u32 s4, $0x1;
	s4 =	sadd.s32 s21, s2  }
0x9d: {  	[timem:s6], [sflag:s22] =	dma.local [hbm:s4], s20  }
0x9e: {  	_ =	swait.ge [sflag:s22], s20  }
0x9f: {  	s3 =	ssub.s32 $0x0, s20;
	[sflag:s22] =	ssyncset.done $0x0  }
0xa0: {  	[sflag:s22] =	ssyncadd.s32 s3;
	_ =	sdelay $0x1  }
0xa1: {  	s23 =	simm.s32 $0x1B8B  }
0xa2: {  	_ =	swait.ge [sflag:s23], $0x1  }
0xa3: {  	[sflag:s23] =	ssyncset.done $0x0  }
0xa4: {  	s25 =	simm.s32 $0x1B8E;
	s24 =	sld [smem:$0x3FFE];
	[sflag:s23] =	ssyncadd.s32 $0xFFFFFFFF  }
0xa5: {  	s26 =	simm.s32 $execute0_lowered;
	[smem:$0x3FD2] =	sst s25  }
0xa6: {  	s4 =	sshll.u32 s26, $0x1;
	_ =	strace $0x80000049;
	[dreg:$0x1] =	wrdreg $0xFFFFFFFF  }
0xa7: {  	s28 =	simm.s32 $_size_execute0_lowered;
	s2 =	sadd.s32 s2, s4;
	[dreg:$0x0] =	wrdreg $0x0  }
0xa8: {  	s4 =	sshll.u32 s28, $0x1;
	[dreg:$0x2] =	wrdreg s2  }
0xa9: {  	[dreg:$0x3] =	wrdreg s4  }
0xaa: {  	[dreg:$0x4] =	wrdreg $0xC0  }
0xab: {  	_ =	task [dreg:s6], $0x5FFFF  }
0xac: {  	[dreg:$0x1] =	wrdreg $0xFFFFFFFF  }
0xad: {  	[dreg:$0x0] =	wrdreg $0x60  }
0xae: {  	[dreg:$0x2] =	wrdreg s24  }
0xaf: {  	[dreg:$0x3] =	wrdreg $0x9  }
0xb0: {  	_ =	task.clear_ibuf [dreg:s6], $0x4FFFF;
	_ =	strace $0x90000049  }
0xb1: {  	s29 =	simm.s32 $0x9;
	_ =	strace $0x8000004B  }
0xb2: {  	_ =	swait.ge [sflag:s29], $0x1  }
0xb3: {  	[sflag:s29] =	ssyncadd.s32 $0xFFFFFFFF  }
0xb4: {  	_ =	strace $0x9000004B  }
0xb5: {  	_ =	sfence  }
0xb6: {  	s30 =	sld [smem:$0x0];
	_ =	sdelay $0x2  }
0xb7: {  	s31 =	sshll.u32 s1, $0xD;
	s1 =	sshrl.u32 s1, $0x2  }
0xb8: {  	s3 =	sand.u32 $0x4000, s31;
	s1 =	sadd.s32 s1, s30  }
0xb9: {  	s0 =	sor.u32 s3, s0;
	s1 =	sshll.u32 s1, $0x11  }
0xba: {  	s0 =	sor.u32 s1, s0  }
0xbb: {  	s0 =	sadd.s32 $0x8F2B, s0  }
0xbc: {  	[sflag:s0] =	ssyncadd.remote.s32 $0x1  }
0xbd: {  	_ =	sfence.sel $0xFFFF  }
0xbe: {  	[dreg:$0x0] =	wrdreg $0xFFFFFFFF;
	(pc) =	sbr.abs _section_cstart, $3  }
0xbf: {  	[dreg:$0x1] =	wrdreg $0xFFFFFFFF  }
0xc0: {  	_ =	task.clear_ibuf [dreg:s6], $0x2FFFF;
	_ =	strace $0x9FFFFFFF  }
0xc1: {  	(tm) =	ssettm $0x7FFFFFFF  }
tec
execute0_lowered:
.L_overlay_start_1:
0x0: {  	(tag) =	ssettag $0x1  }
0x1: {  	s0 =	srdreg.scid;
	s5 =	rddreg [dreg:$0x0]  }
0x2: {  	s1 =	stileid.u32;
	s6 =	simm.s32 $0x1;
	s9 =	simm.s32 $0x1  }
0x3: {  	s10 =	simm.s32 $0x3;
	s13 =	simm.s32 $0x0;
	s2 =	sshll.u32 s0, $0xF  }
0x4: {  	s12 =	simm.s32 $0x0;
	s3 =	sshll.u32 s1, $0x10;
	s2 =	sand.u32 $0x8000, s2  }
0x5: {  	s0 =	rddreg [dreg:$0x1];
	_ =	strace $0x8000004A;
	s2 =	sor.u32 s3, s2  }
0x6: {  	s4 =	sadd.s32 $0x3E00, s5;
	[sflag:s6] =	ssyncpa.u1 $0x0;
	s8 =	ssub.s32 $0x640000, s2  }
.Ltmp0:
0x7: {  	s3 =	sadd.s32 $0x623000, s5;
	s7 =	sand.u32 $0xF8000, s8;
	(pc) =	sbr.rel .LBB2_1-.Ltmp0, $4  }
0x8: {  	s5 =	sadd.s32 $0x20F200, s5;
	s11 =	smov.u32 s2;
	p0 =	sne.s32 s7, $0x0  }
0x9: {  	s8 =	sshrl.u32 s8, $0x14;
	s7 =	simm.s32 $0x2;
	s9 =	simm.s32 @!p0 $0x0  }
0xa: {  	[sflag:s7] =	ssyncpa.u1 $0x0;
	p0 =	por $0x0, $0x0;
	s8 =	sadd.s32 s9, s8  }
0xb: {  	vm0 =	vmmov $0xffff;
	[sflag:s10] =	ssyncpa.u1 $0x0;
	s10 =	simm.s32 $0x0;
	s9 =	sadd.s32 $0x1, s8  }
.LBB2_4:
0xc: {  	vm1 =	veq.s32 v4, $0x80000000;
	v55 =	vand.u32 $0xFFF, v4;
	v6 =	vand.u32 $0x1FFFF, v6  }
0xd: {  	v2 =	vor.u32 v2, v5;
	v58 =	vshrl.u32 v1, $0xC;
	v59 =	vand.u32 $0xFFF, v1  }
0xe: {  	v4 =	vsel vm1, $0xFFFFFFFF, v55;
	v6 =	vsel vm1, $0xFFFFFFFF, v6;
	v2 =	vor.u32 v3, v2  }
0xf: {  	vm1 =	veq.s32 v1, $0x80000000;
	v5 =	vand.u32 $0x1FFFF, v58;
	v7 =	vshrl.u32 v4, $0x3  }
0x10: {  	v56 =	vshll.u32 v6, $0x3;
	v4 =	vshll.u32 v4, $0x7;
	v1 =	vsel vm1, $0xFFFFFFFF, v59  }
0x11: {  	v5 =	vsel vm1, $0xFFFFFFFF, v5;
	v6 =	vand.u32 $0x7F, v6;
	v7 =	vmul.u32 $0xC4000, v7  }
0x12: {  	v57 =	vand.u32 $0xFFFFFC00, v56;
	v4 =	vand.u32 $0x380, v4;
	v60 =	vshrl.u32 v1, $0x3  }
0x13: {  	v61 =	vshll.u32 v5, $0x3;
	v3 =	vadd.s32 v7, v57;
	v7 =	vmul.u32 $0xC4000, v60  }
0x14: {  	v1 =	vshll.u32 v1, $0x7;
	v3 =	vor.u32 v4, v3;
	v4 =	vand.u32 $0xFFFFFC00, v61  }
0x15: {  	v1 =	vand.u32 $0x380, v1;
	v3 =	vor.u32 v6, v3;
	v4 =	vadd.s32 v7, v4  }
0x16: {  	[tilespmem:s16], [sflag:$0x1] =	stream.indirect_vreg.gather [hbm4b:s3+s10], $0x1, v0, vm0, $0x4038;
	v62 =	vand.u32 $0x7F, v5;
	v1 =	vor.u32 v1, v4;
	v63 =	vld [tilespmem:$0x0]  }
0x17: {  	s15 =	sadd.s32 $0x10, s15;
	(ifvalue) =	ssetifvalue $0x7FFFFFFF;
	v0 =	vor.u32 v62, v1  }
0x18: {  	[tilespmem:s15], [sflag:$0x1] =	stream.indirect_vreg.gather [hbm4b:s3+s10], $0x1, v2, vm0, $0x4038;
	v63 =	vld [tilespmem:$0x0]  }
0x19: {  	s15 =	sadd.s32 $0x10, s15;
	(ifvalue) =	ssetifvalue $0x7FFFFFFF  }
0x1a: {  	[tilespmem:s15], [sflag:$0x1] =	stream.indirect_vreg.gather [hbm4b:s3+s10], $0x1, v3, vm0, $0x4038;
	v63 =	vld [tilespmem:$0x0]  }
0x1b: {  	s15 =	sadd.s32 $0x10, s15;
	(ifvalue) =	ssetifvalue $0x7FFFFFFF  }
0x1c: {  	[tilespmem:s15], [sflag:$0x1] =	stream.indirect_vreg.gather [hbm4b:s3+s10], $0x1, v0, vm0, $0x4038;
	v63 =	vld [tilespmem:$0x0]  }
0x1d: {  	_ =	swait.ge [sflag:s6], $0x8000  }
0x1e: {  	s30 =	sshrl.u32 s13, $0x3;
	[sflag:s6] =	ssyncset.done $0x0  }
0x1f: {  	s31 =	sand.u32 $0x7, s13;
	s15 =	sadd.s32 s5, s30;
	[sflag:s6] =	ssyncadd.s32 $0xFFFF8000  }
0x20: {  	[hbm4b:s15+s31] =	stream.linear.scatter [tilespmem:s14], [sflag:$0x3], $0x8000, $0x38;
	v63 =	vld [tilespmem:$0x0]  }
.LBB2_5:
0x21: {  	s15 =	sadd.s32 $0x100000, s11  }
0x22: {  	p2 =	sgt.s32 s15, $0x63FFFF  }
0x23: {  	s15 =	smov.u32 @p2 s2;
	p2 =	sne.s32 s12, s9  }
.Ltmp1:
0x24: {  	p1 =	slt.u32 s12, $0x2;
	(pc) =	sbr.rel @!p2 .LBB2_6-.Ltmp1, $4  }
0x25: {  	s14 =	simm.s32 @!p1 $0x3  }
0x26: {  	s16 =	sadd.s32 $0x1, s12;
	_ =	swait.ge @!p1 [sflag:s14], $0x8000  }
0x27: {  	s13 =	smov.u32 s11;
	p0 =	por !p0, !p0;
	[sflag:s14] =	ssyncset.done @!p1 $0x0  }
0x28: {  	s12 =	smov.u32 s16;
	s11 =	smov.u32 s15;
	[sflag:s14] =	ssyncadd.s32 @!p1 $0xFFFF8000  }
.LBB2_1:
0x29: {  	p1 =	sge.u32 s12, s8  }
0x2a: {  	s14 =	sxor.u32 @!p1 $0xFFFFFFFF, s12  }
0x2b: {  	s31 =	sadd.s32 $0xFFFFFFFF, s12;
	s15 =	sshrl.u32 @!p1 s11, $0x3;
	s14 =	sshll.u32 @!p1 s14, $0xF  }
0x2c: {  	s16 =	sand.u32 @!p1 $0x7, s11;
	s15 =	sadd.s32 @!p1 s4, s15;
	s14 =	sand.u32 @!p1 $0x8000, s14  }
0x2d: {  	[tilespmem:s14], [sflag:$0x2] =	stream.linear.gather @!p1 [hbm4b:s15+s16], $0x8000, $0x38;
	v63 =	vld [tilespmem:$0x0]  }
0x2e: {  	p1 =	sge.u32 s31, s8  }
.Ltmp2:
0x2f: {  	_ = 	snop;
	(pc) =	sbr.rel @p1 .LBB2_5-.Ltmp2, $1  }
0x30: {  	_ =	sdelay $0x3  }
0x31: {  	s14 =	simm.s32 $0x1  }
0x32: {  	_ =	swait.ge [sflag:s7], $0x8000;
	s14 =	simm.s32 @!p0 $0x0  }
0x33: {  	[sflag:s7] =	ssyncset.done $0x0;
	s14 =	sshll.u32 s14, $0xF  }
0x34: {  	[sflag:s7] =	ssyncadd.s32 $0xFFFF8000;
	(ifvalue) =	ssetifvalue $0x7FFFFFFF;
	v0 =	vld.msk [tilespmem:s14+$0x0 ss:$0x1], $0xffff  }
0x35: {  	s15 =	sadd.s32 $0x10, s14  }
0x36: {  	v1 =	vld.msk [tilespmem:s15+$0x0 ss:$0x1], $0xffff;
	_ =	sdelay $0x2  }
0x37: {  	v2 =	vshrl.u32 v0, $0xC  }
0x38: {  	vm1 =	veq.s32 v0, $0x80000000;
	v0 =	vand.u32 $0xFFF, v0;
	v2 =	vand.u32 $0x1FFFF, v2  }
0x39: {  	v0 =	vsel vm1, $0xFFFFFFFF, v0;
	v6 =	vshrl.u32 v1, $0xC;
	v2 =	vsel vm1, $0xFFFFFFFF, v2  }
0x3a: {  	v3 =	vshrl.u32 v0, $0x3;
	v0 =	vshll.u32 v0, $0x7;
	vm1 =	veq.s32 v1, $0x80000000  }
0x3b: {  	s15 =	sadd.s32 $0x10, s15;
	v1 =	vand.u32 $0xFFF, v1;
	v4 =	vshll.u32 v2, $0x3;
	v3 =	vmul.u32 $0xC4000, v3  }
0x3c: {  	v0 =	vand.u32 $0x380, v0;
	v7 =	vand.u32 $0x7F, v2;
	v5 =	vand.u32 $0xFFFFFC00, v4;
	v4 =	vld.msk [tilespmem:s15+$0x0 ss:$0x1], $0xffff  }
0x3d: {  	v1 =	vsel vm1, $0xFFFFFFFF, v1;
	v2 =	vadd.s32 v3, v5;
	v3 =	vand.u32 $0x1FFFF, v6  }
0x3e: {  	v3 =	vsel vm1, $0xFFFFFFFF, v3;
	v0 =	vor.u32 v0, v2;
	v2 =	vshrl.u32 v1, $0x3  }
0x3f: {  	s16 =	sshll.u32 s12, $0xF;
	s18 =	simm.s32 $0x30;
	v1 =	vshll.u32 v1, $0x7;
	v5 =	vshll.u32 v3, $0x3;
	v8 =	vmul.u32 $0xC4000, v2  }
0x40: {  	s31 =	sand.u32 $0x8000, s16;
	s17 =	sadd.s32 $0x10, s15;
	s15 =	sor.u32 $0x10000, s14;
	v2 =	vand.u32 $0x380, v1;
	v0 =	vor.u32 v7, v0;
	v5 =	vand.u32 $0xFFFFFC00, v5  }
0x41: {  	s14 =	sor.u32 $0x10000, s31;
	s16 =	smov.u32 s15;
	v1 =	vld.msk [tilespmem:s17+$0x0 ss:$0x1], $0xffff;
	v3 =	vand.u32 $0x7F, v3;
	(ifvalue) =	ssetifvalue $0x7FFFFFFF;
	v6 =	vshrl.u32 v4, $0xC;
	v5 =	vadd.s32 v8, v5  }
.LBB2_3:
0x42: {  	s18 =	sadd.s32 $0x10, s18  }
0x43: {  	vm1 =	veq.s32 v4, $0x80000000;
	v4 =	vand.u32 $0xFFF, v4;
	v6 =	vand.u32 $0x1FFFF, v6;
	s15 =	sadd.s32 $0x10, s15;
	p1 =	slt.u32 s18, $0x7FF0  }
.Ltmp3:
0x44: {  	v5 =	vor.u32 v2, v5;
	v4 =	vsel vm1, $0xFFFFFFFF, v4;
	v7 =	vsel vm1, $0xFFFFFFFF, v6;
	(pc) =	sbr.rel @p1 .LBB2_3-.Ltmp3, $4  }
0x45: {  	v2 =	vshrl.u32 v4, $0x3;
	v6 =	vshll.u32 v7, $0x3;
	v4 =	vshll.u32 v4, $0x7;
	[tilespmem:s16], [sflag:$0x1] =	stream.indirect_vreg.gather [hbm4b:s3+s10], $0x1, v0, vm0, $0x4038;
	v63 =	vld [tilespmem:$0x0]  }
0x46: {  	v0 =	vor.u32 v3, v5;
	s16 =	smov.u32 s15;
	v8 =	vmul.u32 $0xC4000, v2;
	v2 =	vand.u32 $0x380, v4  }
0x47: {  	s17 =	sadd.s32 $0x10, s17;
	v9 =	vand.u32 $0xFFFFFC00, v6  }
0x48: {  	v3 =	vand.u32 $0x7F, v7;
	v6 =	vshrl.u32 v1, $0xC;
	v5 =	vadd.s32 v8, v9;
	(ifvalue) =	ssetifvalue $0x7FFFFFFF;
	v4 =	vmovc v1;
	v1 =	vld.msk [tilespmem:s17+$0x0 ss:$0x1], $0xffff  }
.Ltmp4:
0x49: {  	_ = 	snop;
	(pc) =	sbr.rel .LBB2_4-.Ltmp4, $1  }
0x4a: {  	_ =	sdelay $0x3  }
.LBB2_6:
0x4b: {  	_ =	sfence.sel $0x180000  }
0x4c: {  	s2 =	simm.s32 $0x2;
	[bflag:$0x0] =	sbarrier.arrive $0xFFFF  }
0x4d: {  	s30 =	simm.s32 $0x3;
	[sflag:s2] =	ssyncpa.u1 $0x1  }
0x4e: {  	s31 =	simm.s32 $0x1;
	[sflag:s30] =	ssyncpa.u1 $0x1  }
0x4f: {  	[sflag:s31] =	ssyncpa.u1 $0x1  }
0x50: {  	p0 =	sne.s32 s1, $0x0;
	_ =	strace $0x9000004A  }
0x51: {  	s0 =	sadd.s32 @!p0 $0x100000, s0;
	[bflag:$0x2] =	sbarrier.arrive $0xFFFF  }
0x52: {  	[sflag:s0] =	ssyncadd.tile.s32 @!p0 $0x1;
	_ =	shalt  }
.Lfunc_end2:
_tile_overlayer_lowered:
.L_overlay_start_2:
0x53: {  	(tag) =	ssettag $0x2  }
0x54: {  	s0 =	rddreg [dreg:$0x0];
	s2 =	stileid.u32  }
0x55: {  	s1 =	rddreg [dreg:$0x1];
	p0 =	sne.s32 s2, $0x0  }
0x56: {  	s3 =	rddreg [dreg:$0x2];
	[bflag:$0x3] =	sbarrier.arrive $0xFFFF;
	s2 =	simm.s32 @!p0 $0x1C01  }
0x57: {  	[timem:s3], [sflag:s2] =	dma.local @!p0 [hbm:s0], s1  }
0x58: {  	s0 =	simm.s32 @!p0 $0x1  }
0x59: {  	_ =	swait.ge @!p0 [sflag:s0], s1  }
0x5a: {  	s1 =	ssub.s32 @!p0 $0x0, s1;
	[sflag:s0] =	ssyncset.done @!p0 $0x0  }
0x5b: {  	[sflag:s0] =	ssyncadd.s32 @!p0 s1  }
0x5c: {  	[bflag:$0x3] =	sbarrier.arrive $0xFFFF  }
0x5d: {  	_ =	shalt  }

// kernel: gather_offload_async_start
scs
__scs_entry_jumppad:
0x0: {  	(pc) =	sbr.rel $0x88, $3  }
0x1: {  	(tag) =	ssettag $0x0;
	lr =	simm.s32 $0x1  }
0x2: {  	[smem:$0x3F9E] =	sst lr;
	_ =	strace $0xD0000000  }
0x3: {  	_ = 	snop  }
0x4: {  	_ = 	snop  }
0x5: {  	_ = 	snop  }
0x6: {  	_ = 	snop  }
0x7: {  	_ = 	snop  }
__scs_overlays_trampoline_lowered:
0x8: {  	[smem:$0x3FAD] =	sst s0  }
0x9: {  	[smem:$0x3FAE] =	sst s1  }
0xa: {  	[smem:$0x3FAF] =	sst s2  }
0xb: {  	[smem:$0x3FB0] =	sst s3  }
0xc: {  	[smem:$0x3FB1] =	sst s4  }
0xd: {  	[smem:$0x3FB2] =	sst s5  }
0xe: {  	[smem:$0x3FB3] =	sst s6  }
0xf: {  	[smem:$0x3FB4] =	sst s7  }
0x10: {  	[smem:$0x3FB5] =	sst s8  }
0x11: {  	[smem:$0x3FB6] =	sst s9;
	s0 =	simm.s32 @!p0 $0x0  }
0x12: {  	s1 =	sld [smem:$0x3F9C];
	s0 =	simm.s32 @p0 $0x1  }
0x13: {  	[smem:$0x3FB7] =	sst s0;
	s0 =	simm.s32 @!p1 $0x0  }
0x14: {  	s2 =	sld [smem:$0x3F9B];
	s0 =	simm.s32 @p1 $0x1  }
0x15: {  	[smem:$0x3FB8] =	sst s0;
	s0 =	simm.s32 @!p2 $0x0  }
0x16: {  	s3 =	sld [smem:$0x3FDB];
	s0 =	simm.s32 @p2 $0x1  }
0x17: {  	s4 =	simm.s32 $0x1BF5;
	[smem:$0x3FBA] =	sst s0  }
0x18: {  	s0 =	sld [smem:$0x3F9D];
	_ =	swait.ge [sflag:s4], $0x0  }
0x19: {  	s7 =	sld [smem:$0x3F9E]  }
0x1a: {  	s8 =	sadd.s32 $0xFFFFE003, lr  }
0x1b: {  	s9 =	sadd.s32 $0xFFFFFEF7, lr;
	s5 =	simm.s32 $0xFFFFFFFF;
	p2 =	slt.u32 s8, $0xFFFFF086  }
0x1c: {  	p1 =	slt.u32 s9, $0xF7A;
	s5 =	simm.s32 @!p2 $0x0  }
0x1d: {  	s5 =	simm.s32 @p1 $0x1;
	p0 =	seq.s32 s7, s2  }
0x1e: {  	s7 =	smul.u32 @!p0 $0xF7A, s2;
	p2 =	seq.s32 @!p0 s5, $0x0  }
0x1f: {  	s9 =	smul.u32 $0xF7A, s1;
	s8 =	simm.s32 @!p0 $0x1BF5;
	p2 =	por !p2, p0  }
0x20: {  	[sflag:s8] =	ssyncset.s32 @!p0 $0xFFFFF086;
	s6 =	sadd.s32 @!p0 s3, s7;
	s7 =	simm.s32 @!p0 $0x108  }
0x21: {  	s3 =	sadd.s32 s3, s9;
	s6 =	sadd.s32 @!p0 $0x88, s6;
	s7 =	simm.s32 @p2 $0x1082  }
0x22: {  	[simem:s7], [sflag:s8] =	dma.local @!p0 [hbm:s6], $0xF7A  }
0x23: {  	s9 =	sor.u32 $0xD0000000, s2;
	s6 =	simm.s32 $0x108;
	_ =	swait.ge @!p0 [sflag:s8], $0x0  }
0x24: {  	s3 =	sadd.s32 $0x88, s3;
	s6 =	simm.s32 @!p1 $0x1082;
	[sflag:s4] =	ssyncset.s32 $0xFFFFF086  }
0x25: {  	[simem:s6], [sflag:s4] =	dma.local [hbm:s3], $0xF7A  }
0x26: {  	[smem:$0x3F9E] =	sst s1;
	(tag) =	ssettag s2;
	_ =	strace s9  }
0x27: {  	s1 =	sld [smem:$0x3FAE]  }
0x28: {  	s2 =	sld [smem:$0x3FAF]  }
0x29: {  	s4 =	sld [smem:$0x3FB1]  }
0x2a: {  	p0 =	seq.s32 s5, $0x0;
	s5 =	sld [smem:$0x3FB2]  }
0x2b: {  	s6 =	sld [smem:$0x3FB3]  }
0x2c: {  	s7 =	sld [smem:$0x3FB4]  }
0x2d: {  	s3 =	simm.s32 $0x108;
	s8 =	sld [smem:$0x3FB5]  }
0x2e: {  	s3 =	simm.s32 @!p0 $0x1082;
	s9 =	sld [smem:$0x3FB6]  }
0x2f: {  	lr =	sadd.s32 s0, s3;
	s0 =	sld [smem:$0x3FAD]  }
0x30: {  	s3 =	sld [smem:$0x3FB0]  }
0x31: {  	[smem:$0x3FB9] =	sst s10  }
0x32: {  	s10 =	sld [smem:$0x3FB7];
	_ =	sdelay $0x3  }
0x33: {  	p0 =	seq.s32 s10, $0x1;
	s10 =	sld [smem:$0x3FB9];
	_ =	sdelay $0x3  }
0x34: {  	[smem:$0x3FB9] =	sst s10  }
0x35: {  	s10 =	sld [smem:$0x3FB8];
	_ =	sdelay $0x3  }
0x36: {  	p1 =	seq.s32 s10, $0x1;
	s10 =	sld [smem:$0x3FB9];
	_ =	sdelay $0x3  }
0x37: {  	[smem:$0x3FB9] =	sst s10  }
0x38: {  	s10 =	sld [smem:$0x3FBA]  }
0x39: {  	_ = 	snop;
	(pc) =	sbr.ind lr, $3  }
0x3a: {  	_ = 	snop  }
0x3b: {  	_ = 	snop  }
0x3c: {  	p2 =	seq.s32 s10, $0x1;
	s10 =	sld [smem:$0x3FB9]  }
0x3d: {  	_ =	shalt  }
0x3e: {  	_ =	shalt  }
0x3f: {  	_ =	shalt  }
0x40: {  	_ =	shalt  }
0x41: {  	_ =	shalt  }
0x42: {  	_ =	shalt  }
0x43: {  	_ =	shalt  }
0x44: {  	_ =	shalt  }
0x45: {  	_ =	shalt  }
0x46: {  	_ =	shalt  }
0x47: {  	_ =	shalt  }
0x48: {  	_ =	shalt  }
0x49: {  	_ =	shalt  }
0x4a: {  	_ =	shalt  }
0x4b: {  	_ =	shalt  }
0x4c: {  	_ =	shalt  }
0x4d: {  	_ =	shalt  }
0x4e: {  	_ =	shalt  }
0x4f: {  	_ =	shalt  }
0x50: {  	_ =	shalt  }
0x51: {  	_ =	shalt  }
0x52: {  	_ =	shalt  }
0x53: {  	_ =	shalt  }
0x54: {  	_ =	shalt  }
0x55: {  	_ =	shalt  }
0x56: {  	_ =	shalt  }
0x57: {  	_ =	shalt  }
0x58: {  	_ =	shalt  }
0x59: {  	_ =	shalt  }
0x5a: {  	_ =	shalt  }
0x5b: {  	_ =	shalt  }
0x5c: {  	_ =	shalt  }
0x5d: {  	_ =	shalt  }
0x5e: {  	_ =	shalt  }
0x5f: {  	_ =	shalt  }
0x60: {  	_ =	shalt  }
0x61: {  	_ =	shalt  }
0x62: {  	_ =	shalt  }
0x63: {  	_ =	shalt  }
0x64: {  	_ =	shalt  }
0x65: {  	_ =	shalt  }
0x66: {  	_ =	shalt  }
0x67: {  	_ =	shalt  }
0x68: {  	_ =	shalt  }
0x69: {  	_ =	shalt  }
0x6a: {  	_ =	shalt  }
0x6b: {  	_ =	shalt  }
0x6c: {  	_ =	shalt  }
0x6d: {  	_ =	shalt  }
0x6e: {  	_ =	shalt  }
0x6f: {  	_ =	shalt  }
0x70: {  	_ =	shalt  }
0x71: {  	_ =	shalt  }
0x72: {  	_ =	shalt  }
0x73: {  	_ =	shalt  }
0x74: {  	_ =	shalt  }
0x75: {  	_ =	shalt  }
0x76: {  	_ =	shalt  }
0x77: {  	_ =	shalt  }
0x78: {  	_ =	shalt  }
0x79: {  	_ =	shalt  }
0x7a: {  	_ =	shalt  }
0x7b: {  	_ =	shalt  }
0x7c: {  	_ =	shalt  }
0x7d: {  	_ =	shalt  }
0x7e: {  	_ =	shalt  }
0x7f: {  	_ =	shalt  }
0x80: {  	_ =	shalt  }
0x81: {  	_ =	shalt  }
0x82: {  	_ =	shalt  }
0x83: {  	_ =	shalt  }
0x84: {  	_ =	shalt  }
0x85: {  	_ =	shalt  }
0x86: {  	_ =	shalt  }
0x87: {  	_ =	shalt  }
.Lfunc_end0:
.L_simem_size_0:
called_computation_lowered:
.L_overlay_start_0:
0x88: {  	s2 =	sld [smem:$0x3FD9]  }
0x89: {  	s3 =	sld [smem:$0x3FFE];
	_ =	sdelay $0x1  }
0x8a: {  	s1 =	srdreg.scid  }
0x8b: {  	s0 =	sand.u32 $0x1, s1  }
0x8c: {  	s16 =	sshll.u32 s0, $0xA;
	s2 =	sadd.s32 s3, s2  }
0x8d: {  	s2 =	sadd.s32 s2, s16  }
0x8e: {  	[smem:$0x3FC5] =	sst s2  }
0x8f: {  	_ = 	snop  }
0x90: {  	(tm) =	ssettm $0x1  }
0x91: {  	s17 =	sld [smem:$0x3FFB];
	_ =	sdelay $0x3  }
0x92: {  	_ =	strace s17  }
0x93: {  	s2 =	sld [smem:$0x3FFC];
	_ =	sdelay $0x3  }
0x94: {  	_ =	strace s2  }
0x95: {  	s2 =	sld [smem:$0x3FFD];
	_ =	sdelay $0x3  }
0x96: {  	_ =	strace s2  }
0x97: {  	_ =	strace $0x8FFFFFFF  }
0x98: {  	s18 =	sld [smem:$0x3FDB];
	_ =	sdelay $0x1  }
0x99: {  	s19 =	simm.s32 $_scs_section_size  }
0x9a: {  	s4 =	simm.s32 $_size__tile_overlayer_lowered;
	s5 =	simm.s32 $_tile_overlayer_lowered  }
0x9b: {  	s22 =	simm.s32 $0x1BFF;
	s21 =	sshll.u32 s5, $0x1;
	s2 =	sadd.s32 s19, s18  }
0x9c: {  	s6 =	simm.s32 $0x0;
	s20 =	sshll.u32 s4, $0x1;
	s4 =	sadd.s32 s21, s2  }
0x9d: {  	[timem:s6], [sflag:s22] =	dma.local [hbm:s4], s20  }
0x9e: {  	_ =	swait.ge [sflag:s22], s20  }
0x9f: {  	s3 =	ssub.s32 $0x0, s20;
	[sflag:s22] =	ssyncset.done $0x0  }
0xa0: {  	[sflag:s22] =	ssyncadd.s32 s3;
	_ =	sdelay $0x1  }
0xa1: {  	s23 =	simm.s32 $0x1B8B  }
0xa2: {  	_ =	swait.ge [sflag:s23], $0x1  }
0xa3: {  	[sflag:s23] =	ssyncset.done $0x0  }
0xa4: {  	s25 =	simm.s32 $0x1B8E;
	s24 =	sld [smem:$0x3FFE];
	[sflag:s23] =	ssyncadd.s32 $0xFFFFFFFF  }
0xa5: {  	s26 =	simm.s32 $execute0_lowered;
	[smem:$0x3FD2] =	sst s25  }
0xa6: {  	s4 =	sshll.u32 s26, $0x1;
	_ =	strace $0x80000046;
	[dreg:$0x1] =	wrdreg $0xFFFFFFFF  }
0xa7: {  	s28 =	simm.s32 $_size_execute0_lowered;
	s2 =	sadd.s32 s2, s4;
	[dreg:$0x0] =	wrdreg $0x0  }
0xa8: {  	s4 =	sshll.u32 s28, $0x1;
	[dreg:$0x2] =	wrdreg s2  }
0xa9: {  	[dreg:$0x3] =	wrdreg s4  }
0xaa: {  	[dreg:$0x4] =	wrdreg $0xC0  }
0xab: {  	_ =	task [dreg:s6], $0x5FFFF  }
0xac: {  	[dreg:$0x1] =	wrdreg $0xFFFFFFFF  }
0xad: {  	[dreg:$0x0] =	wrdreg $0x60  }
0xae: {  	[dreg:$0x2] =	wrdreg s24  }
0xaf: {  	[dreg:$0x3] =	wrdreg $0x9  }
0xb0: {  	_ =	task.clear_ibuf [dreg:s6], $0x4FFFF;
	_ =	strace $0x90000046  }
0xb1: {  	s29 =	simm.s32 $0x9;
	_ =	strace $0x80000048  }
0xb2: {  	_ =	swait.ge [sflag:s29], $0x1  }
0xb3: {  	[sflag:s29] =	ssyncadd.s32 $0xFFFFFFFF  }
0xb4: {  	_ =	strace $0x90000048  }
0xb5: {  	_ =	sfence  }
0xb6: {  	s30 =	sld [smem:$0x0];
	_ =	sdelay $0x2  }
0xb7: {  	s31 =	sshll.u32 s1, $0xD;
	s1 =	sshrl.u32 s1, $0x2  }
0xb8: {  	s3 =	sand.u32 $0x4000, s31;
	s1 =	sadd.s32 s1, s30  }
0xb9: {  	s0 =	sor.u32 s3, s0;
	s1 =	sshll.u32 s1, $0x11  }
0xba: {  	s0 =	sor.u32 s1, s0  }
0xbb: {  	s0 =	sadd.s32 $0x8F2B, s0  }
0xbc: {  	[sflag:s0] =	ssyncadd.remote.s32 $0x1  }
0xbd: {  	_ =	sfence.sel $0xFFFF  }
0xbe: {  	[dreg:$0x0] =	wrdreg $0xFFFFFFFF;
	(pc) =	sbr.abs _section_cstart, $3  }
0xbf: {  	[dreg:$0x1] =	wrdreg $0xFFFFFFFF  }
0xc0: {  	_ =	task.clear_ibuf [dreg:s6], $0x2FFFF;
	_ =	strace $0x9FFFFFFF  }
0xc1: {  	(tm) =	ssettm $0x7FFFFFFF  }
tec
execute0_lowered:
.L_overlay_start_1:
0x0: {  	(tag) =	ssettag $0x1  }
0x1: {  	s0 =	srdreg.scid;
	s5 =	rddreg [dreg:$0x0]  }
0x2: {  	s1 =	stileid.u32;
	s6 =	simm.s32 $0x1;
	s9 =	simm.s32 $0x1  }
0x3: {  	s10 =	simm.s32 $0x3;
	s13 =	simm.s32 $0x0;
	s2 =	sshll.u32 s0, $0xF  }
0x4: {  	s12 =	simm.s32 $0x0;
	s3 =	sshll.u32 s1, $0x10;
	s2 =	sand.u32 $0x8000, s2  }
0x5: {  	s0 =	rddreg [dreg:$0x1];
	_ =	strace $0x80000047;
	s2 =	sor.u32 s3, s2  }
0x6: {  	s4 =	sadd.s32 $0x4000, s5;
	[sflag:s6] =	ssyncpa.u1 $0x0;
	s8 =	ssub.s32 $0x320000, s2  }
.Ltmp0:
0x7: {  	s3 =	sadd.s32 $0x3723000, s5;
	s7 =	sand.u32 $0xF8000, s8;
	(pc) =	sbr.rel .LBB2_1-.Ltmp0, $4  }
0x8: {  	s5 =	sadd.s32 $0xD8000, s5;
	s11 =	smov.u32 s2;
	p0 =	sne.s32 s7, $0x0  }
0x9: {  	s8 =	sshrl.u32 s8, $0x14;
	s7 =	simm.s32 $0x2;
	s9 =	simm.s32 @!p0 $0x0  }
0xa: {  	[sflag:s7] =	ssyncpa.u1 $0x0;
	p0 =	por $0x0, $0x0;
	s8 =	sadd.s32 s9, s8  }
0xb: {  	vm0 =	vmmov $0xffff;
	[sflag:s10] =	ssyncpa.u1 $0x0;
	s10 =	simm.s32 $0x0;
	s9 =	sadd.s32 $0x1, s8  }
.LBB2_4:
0xc: {  	vm1 =	veq.s32 v4, $0x80000000;
	v55 =	vand.u32 $0xFFF, v4;
	v6 =	vand.u32 $0x1FFF, v6  }
0xd: {  	v2 =	vor.u32 v2, v5;
	v58 =	vshrl.u32 v1, $0xC;
	v59 =	vand.u32 $0xFFF, v1  }
0xe: {  	v4 =	vsel vm1, $0xFFFFFFFF, v55;
	v6 =	vsel vm1, $0xFFFFFFFF, v6;
	v2 =	vor.u32 v3, v2  }
0xf: {  	vm1 =	veq.s32 v1, $0x80000000;
	v5 =	vand.u32 $0x1FFF, v58;
	v7 =	vshrl.u32 v4, $0x3  }
0x10: {  	v56 =	vshll.u32 v6, $0x3;
	v4 =	vshll.u32 v4, $0x7;
	v1 =	vsel vm1, $0xFFFFFFFF, v59  }
0x11: {  	v5 =	vsel vm1, $0xFFFFFFFF, v5;
	v6 =	vand.u32 $0x7F, v6;
	v7 =	vmul.u32 $0xE000, v7  }
0x12: {  	v57 =	vand.u32 $0xFFFFFC00, v56;
	v4 =	vand.u32 $0x380, v4;
	v60 =	vshrl.u32 v1, $0x3  }
0x13: {  	v61 =	vshll.u32 v5, $0x3;
	v3 =	vadd.s32 v7, v57;
	v7 =	vmul.u32 $0xE000, v60  }
0x14: {  	v1 =	vshll.u32 v1, $0x7;
	v3 =	vor.u32 v4, v3;
	v4 =	vand.u32 $0xFFFFFC00, v61  }
0x15: {  	v1 =	vand.u32 $0x380, v1;
	v3 =	vor.u32 v6, v3;
	v4 =	vadd.s32 v7, v4  }
0x16: {  	[tilespmem:s16], [sflag:$0x1] =	stream.indirect_vreg.gather [hbm4b:s3+s10], $0x1, v0, vm0, $0x4038;
	v62 =	vand.u32 $0x7F, v5;
	v1 =	vor.u32 v1, v4;
	v63 =	vld [tilespmem:$0x0]  }
0x17: {  	s15 =	sadd.s32 $0x10, s15;
	(ifvalue) =	ssetifvalue $0x7FFFFFFF;
	v0 =	vor.u32 v62, v1  }
0x18: {  	[tilespmem:s15], [sflag:$0x1] =	stream.indirect_vreg.gather [hbm4b:s3+s10], $0x1, v2, vm0, $0x4038;
	v63 =	vld [tilespmem:$0x0]  }
0x19: {  	s15 =	sadd.s32 $0x10, s15;
	(ifvalue) =	ssetifvalue $0x7FFFFFFF  }
0x1a: {  	[tilespmem:s15], [sflag:$0x1] =	stream.indirect_vreg.gather [hbm4b:s3+s10], $0x1, v3, vm0, $0x4038;
	v63 =	vld [tilespmem:$0x0]  }
0x1b: {  	s15 =	sadd.s32 $0x10, s15;
	(ifvalue) =	ssetifvalue $0x7FFFFFFF  }
0x1c: {  	[tilespmem:s15], [sflag:$0x1] =	stream.indirect_vreg.gather [hbm4b:s3+s10], $0x1, v0, vm0, $0x4038;
	v63 =	vld [tilespmem:$0x0]  }
0x1d: {  	_ =	swait.ge [sflag:s6], $0x8000  }
0x1e: {  	s30 =	sshrl.u32 s13, $0x3;
	[sflag:s6] =	ssyncset.done $0x0  }
0x1f: {  	s31 =	sand.u32 $0x7, s13;
	s15 =	sadd.s32 s5, s30;
	[sflag:s6] =	ssyncadd.s32 $0xFFFF8000  }
0x20: {  	[hbm4b:s15+s31] =	stream.linear.scatter [tilespmem:s14], [sflag:$0x3], $0x8000, $0x38;
	v63 =	vld [tilespmem:$0x0]  }
.LBB2_5:
0x21: {  	s15 =	sadd.s32 $0x100000, s11  }
0x22: {  	p2 =	sgt.s32 s15, $0x31FFFF  }
0x23: {  	s15 =	smov.u32 @p2 s2;
	p2 =	sne.s32 s12, s9  }
.Ltmp1:
0x24: {  	p1 =	slt.u32 s12, $0x2;
	(pc) =	sbr.rel @!p2 .LBB2_6-.Ltmp1, $4  }
0x25: {  	s14 =	simm.s32 @!p1 $0x3  }
0x26: {  	s16 =	sadd.s32 $0x1, s12;
	_ =	swait.ge @!p1 [sflag:s14], $0x8000  }
0x27: {  	s13 =	smov.u32 s11;
	p0 =	por !p0, !p0;
	[sflag:s14] =	ssyncset.done @!p1 $0x0  }
0x28: {  	s12 =	smov.u32 s16;
	s11 =	smov.u32 s15;
	[sflag:s14] =	ssyncadd.s32 @!p1 $0xFFFF8000  }
.LBB2_1:
0x29: {  	p1 =	sge.u32 s12, s8  }
0x2a: {  	s14 =	sxor.u32 @!p1 $0xFFFFFFFF, s12  }
0x2b: {  	s31 =	sadd.s32 $0xFFFFFFFF, s12;
	s15 =	sshrl.u32 @!p1 s11, $0x3;
	s14 =	sshll.u32 @!p1 s14, $0xF  }
0x2c: {  	s16 =	sand.u32 @!p1 $0x7, s11;
	s15 =	sadd.s32 @!p1 s4, s15;
	s14 =	sand.u32 @!p1 $0x8000, s14  }
0x2d: {  	[tilespmem:s14], [sflag:$0x2] =	stream.linear.gather @!p1 [hbm4b:s15+s16], $0x8000, $0x38;
	v63 =	vld [tilespmem:$0x0]  }
0x2e: {  	p1 =	sge.u32 s31, s8  }
.Ltmp2:
0x2f: {  	_ = 	snop;
	(pc) =	sbr.rel @p1 .LBB2_5-.Ltmp2, $1  }
0x30: {  	_ =	sdelay $0x3  }
0x31: {  	s14 =	simm.s32 $0x1  }
0x32: {  	_ =	swait.ge [sflag:s7], $0x8000;
	s14 =	simm.s32 @!p0 $0x0  }
0x33: {  	[sflag:s7] =	ssyncset.done $0x0;
	s14 =	sshll.u32 s14, $0xF  }
0x34: {  	[sflag:s7] =	ssyncadd.s32 $0xFFFF8000;
	(ifvalue) =	ssetifvalue $0x7FFFFFFF;
	v0 =	vld.msk [tilespmem:s14+$0x0 ss:$0x1], $0xffff  }
0x35: {  	s15 =	sadd.s32 $0x10, s14  }
0x36: {  	v1 =	vld.msk [tilespmem:s15+$0x0 ss:$0x1], $0xffff;
	_ =	sdelay $0x2  }
0x37: {  	v2 =	vshrl.u32 v0, $0xC  }
0x38: {  	vm1 =	veq.s32 v0, $0x80000000;
	v0 =	vand.u32 $0xFFF, v0;
	v2 =	vand.u32 $0x1FFF, v2  }
0x39: {  	v0 =	vsel vm1, $0xFFFFFFFF, v0;
	v6 =	vshrl.u32 v1, $0xC;
	v2 =	vsel vm1, $0xFFFFFFFF, v2  }
0x3a: {  	v3 =	vshrl.u32 v0, $0x3;
	v0 =	vshll.u32 v0, $0x7;
	vm1 =	veq.s32 v1, $0x80000000  }
0x3b: {  	s15 =	sadd.s32 $0x10, s15;
	v1 =	vand.u32 $0xFFF, v1;
	v4 =	vshll.u32 v2, $0x3;
	v3 =	vmul.u32 $0xE000, v3  }
0x3c: {  	v0 =	vand.u32 $0x380, v0;
	v7 =	vand.u32 $0x7F, v2;
	v5 =	vand.u32 $0xFFFFFC00, v4;
	v4 =	vld.msk [tilespmem:s15+$0x0 ss:$0x1], $0xffff  }
0x3d: {  	v1 =	vsel vm1, $0xFFFFFFFF, v1;
	v2 =	vadd.s32 v3, v5;
	v3 =	vand.u32 $0x1FFF, v6  }
0x3e: {  	v3 =	vsel vm1, $0xFFFFFFFF, v3;
	v0 =	vor.u32 v0, v2;
	v2 =	vshrl.u32 v1, $0x3  }
0x3f: {  	s16 =	sshll.u32 s12, $0xF;
	s18 =	simm.s32 $0x30;
	v1 =	vshll.u32 v1, $0x7;
	v5 =	vshll.u32 v3, $0x3;
	v8 =	vmul.u32 $0xE000, v2  }
0x40: {  	s31 =	sand.u32 $0x8000, s16;
	s17 =	sadd.s32 $0x10, s15;
	s15 =	sor.u32 $0x10000, s14;
	v2 =	vand.u32 $0x380, v1;
	v0 =	vor.u32 v7, v0;
	v5 =	vand.u32 $0xFFFFFC00, v5  }
0x41: {  	s14 =	sor.u32 $0x10000, s31;
	s16 =	smov.u32 s15;
	v1 =	vld.msk [tilespmem:s17+$0x0 ss:$0x1], $0xffff;
	v3 =	vand.u32 $0x7F, v3;
	(ifvalue) =	ssetifvalue $0x7FFFFFFF;
	v6 =	vshrl.u32 v4, $0xC;
	v5 =	vadd.s32 v8, v5  }
.LBB2_3:
0x42: {  	s18 =	sadd.s32 $0x10, s18  }
0x43: {  	vm1 =	veq.s32 v4, $0x80000000;
	v4 =	vand.u32 $0xFFF, v4;
	v6 =	vand.u32 $0x1FFF, v6;
	s15 =	sadd.s32 $0x10, s15;
	p1 =	slt.u32 s18, $0x7FF0  }
.Ltmp3:
0x44: {  	v5 =	vor.u32 v2, v5;
	v4 =	vsel vm1, $0xFFFFFFFF, v4;
	v7 =	vsel vm1, $0xFFFFFFFF, v6;
	(pc) =	sbr.rel @p1 .LBB2_3-.Ltmp3, $4  }
0x45: {  	v2 =	vshrl.u32 v4, $0x3;
	v6 =	vshll.u32 v7, $0x3;
	v4 =	vshll.u32 v4, $0x7;
	[tilespmem:s16], [sflag:$0x1] =	stream.indirect_vreg.gather [hbm4b:s3+s10], $0x1, v0, vm0, $0x4038;
	v63 =	vld [tilespmem:$0x0]  }
0x46: {  	v0 =	vor.u32 v3, v5;
	s16 =	smov.u32 s15;
	v8 =	vmul.u32 $0xE000, v2;
	v2 =	vand.u32 $0x380, v4  }
0x47: {  	s17 =	sadd.s32 $0x10, s17;
	v9 =	vand.u32 $0xFFFFFC00, v6  }
0x48: {  	v3 =	vand.u32 $0x7F, v7;
	v6 =	vshrl.u32 v1, $0xC;
	v5 =	vadd.s32 v8, v9;
	(ifvalue) =	ssetifvalue $0x7FFFFFFF;
	v4 =	vmovc v1;
	v1 =	vld.msk [tilespmem:s17+$0x0 ss:$0x1], $0xffff  }
.Ltmp4:
0x49: {  	_ = 	snop;
	(pc) =	sbr.rel .LBB2_4-.Ltmp4, $1  }
0x4a: {  	_ =	sdelay $0x3  }
.LBB2_6:
0x4b: {  	_ =	sfence.sel $0x180000  }
0x4c: {  	s2 =	simm.s32 $0x2;
	[bflag:$0x0] =	sbarrier.arrive $0xFFFF  }
0x4d: {  	s30 =	simm.s32 $0x3;
	[sflag:s2] =	ssyncpa.u1 $0x1  }
0x4e: {  	s31 =	simm.s32 $0x1;
	[sflag:s30] =	ssyncpa.u1 $0x1  }
0x4f: {  	[sflag:s31] =	ssyncpa.u1 $0x1  }
0x50: {  	p0 =	sne.s32 s1, $0x0;
	_ =	strace $0x90000047  }
0x51: {  	s0 =	sadd.s32 @!p0 $0x100000, s0;
	[bflag:$0x2] =	sbarrier.arrive $0xFFFF  }
0x52: {  	[sflag:s0] =	ssyncadd.tile.s32 @!p0 $0x1;
	_ =	shalt  }
.Lfunc_end2:
_tile_overlayer_lowered:
.L_overlay_start_2:
0x53: {  	(tag) =	ssettag $0x2  }
0x54: {  	s0 =	rddreg [dreg:$0x0];
	s2 =	stileid.u32  }
0x55: {  	s1 =	rddreg [dreg:$0x1];
	p0 =	sne.s32 s2, $0x0  }
0x56: {  	s3 =	rddreg [dreg:$0x2];
	[bflag:$0x3] =	sbarrier.arrive $0xFFFF;
	s2 =	simm.s32 @!p0 $0x1C01  }
0x57: {  	[timem:s3], [sflag:s2] =	dma.local @!p0 [hbm:s0], s1  }
0x58: {  	s0 =	simm.s32 @!p0 $0x1  }
0x59: {  	_ =	swait.ge @!p0 [sflag:s0], s1  }
0x5a: {  	s1 =	ssub.s32 @!p0 $0x0, s1;
	[sflag:s0] =	ssyncset.done @!p0 $0x0  }
0x5b: {  	[sflag:s0] =	ssyncadd.s32 @!p0 s1  }
0x5c: {  	[bflag:$0x3] =	sbarrier.arrive $0xFFFF  }
0x5d: {  	_ =	shalt  }

// kernel: kernel.7.cloned.1.call-start
scs
__scs_entry_jumppad:
0x0: {  	(pc) =	sbr.rel $0x88, $3  }
0x1: {  	(tag) =	ssettag $0x0;
	lr =	simm.s32 $0x1  }
0x2: {  	[smem:$0x3F9E] =	sst lr;
	_ =	strace $0xD0000000  }
0x3: {  	_ = 	snop  }
0x4: {  	_ = 	snop  }
0x5: {  	_ = 	snop  }
0x6: {  	_ = 	snop  }
0x7: {  	_ = 	snop  }
__scs_overlays_trampoline_lowered:
0x8: {  	[smem:$0x3FAD] =	sst s0  }
0x9: {  	[smem:$0x3FAE] =	sst s1  }
0xa: {  	[smem:$0x3FAF] =	sst s2  }
0xb: {  	[smem:$0x3FB0] =	sst s3  }
0xc: {  	[smem:$0x3FB1] =	sst s4  }
0xd: {  	[smem:$0x3FB2] =	sst s5  }
0xe: {  	[smem:$0x3FB3] =	sst s6  }
0xf: {  	[smem:$0x3FB4] =	sst s7  }
0x10: {  	[smem:$0x3FB5] =	sst s8  }
0x11: {  	[smem:$0x3FB6] =	sst s9;
	s0 =	simm.s32 @!p0 $0x0  }
0x12: {  	s1 =	sld [smem:$0x3F9C];
	s0 =	simm.s32 @p0 $0x1  }
0x13: {  	[smem:$0x3FB7] =	sst s0;
	s0 =	simm.s32 @!p1 $0x0  }
0x14: {  	s2 =	sld [smem:$0x3F9B];
	s0 =	simm.s32 @p1 $0x1  }
0x15: {  	[smem:$0x3FB8] =	sst s0;
	s0 =	simm.s32 @!p2 $0x0  }
0x16: {  	s3 =	sld [smem:$0x3FDB];
	s0 =	simm.s32 @p2 $0x1  }
0x17: {  	s4 =	simm.s32 $0x1BF5;
	[smem:$0x3FBA] =	sst s0  }
0x18: {  	s0 =	sld [smem:$0x3F9D];
	_ =	swait.ge [sflag:s4], $0x0  }
0x19: {  	s7 =	sld [smem:$0x3F9E]  }
0x1a: {  	s8 =	sadd.s32 $0xFFFFE003, lr  }
0x1b: {  	s9 =	sadd.s32 $0xFFFFFEF7, lr;
	s5 =	simm.s32 $0xFFFFFFFF;
	p2 =	slt.u32 s8, $0xFFFFF086  }
0x1c: {  	p1 =	slt.u32 s9, $0xF7A;
	s5 =	simm.s32 @!p2 $0x0  }
0x1d: {  	s5 =	simm.s32 @p1 $0x1;
	p0 =	seq.s32 s7, s2  }
0x1e: {  	s7 =	smul.u32 @!p0 $0xF7A, s2;
	p2 =	seq.s32 @!p0 s5, $0x0  }
0x1f: {  	s9 =	smul.u32 $0xF7A, s1;
	s8 =	simm.s32 @!p0 $0x1BF5;
	p2 =	por !p2, p0  }
0x20: {  	[sflag:s8] =	ssyncset.s32 @!p0 $0xFFFFF086;
	s6 =	sadd.s32 @!p0 s3, s7;
	s7 =	simm.s32 @!p0 $0x108  }
0x21: {  	s3 =	sadd.s32 s3, s9;
	s6 =	sadd.s32 @!p0 $0x88, s6;
	s7 =	simm.s32 @p2 $0x1082  }
0x22: {  	[simem:s7], [sflag:s8] =	dma.local @!p0 [hbm:s6], $0xF7A  }
0x23: {  	s9 =	sor.u32 $0xD0000000, s2;
	s6 =	simm.s32 $0x108;
	_ =	swait.ge @!p0 [sflag:s8], $0x0  }
0x24: {  	s3 =	sadd.s32 $0x88, s3;
	s6 =	simm.s32 @!p1 $0x1082;
	[sflag:s4] =	ssyncset.s32 $0xFFFFF086  }
0x25: {  	[simem:s6], [sflag:s4] =	dma.local [hbm:s3], $0xF7A  }
0x26: {  	[smem:$0x3F9E] =	sst s1;
	(tag) =	ssettag s2;
	_ =	strace s9  }
0x27: {  	s1 =	sld [smem:$0x3FAE]  }
0x28: {  	s2 =	sld [smem:$0x3FAF]  }
0x29: {  	s4 =	sld [smem:$0x3FB1]  }
0x2a: {  	p0 =	seq.s32 s5, $0x0;
	s5 =	sld [smem:$0x3FB2]  }
0x2b: {  	s6 =	sld [smem:$0x3FB3]  }
0x2c: {  	s7 =	sld [smem:$0x3FB4]  }
0x2d: {  	s3 =	simm.s32 $0x108;
	s8 =	sld [smem:$0x3FB5]  }
0x2e: {  	s3 =	simm.s32 @!p0 $0x1082;
	s9 =	sld [smem:$0x3FB6]  }
0x2f: {  	lr =	sadd.s32 s0, s3;
	s0 =	sld [smem:$0x3FAD]  }
0x30: {  	s3 =	sld [smem:$0x3FB0]  }
0x31: {  	[smem:$0x3FB9] =	sst s10  }
0x32: {  	s10 =	sld [smem:$0x3FB7];
	_ =	sdelay $0x3  }
0x33: {  	p0 =	seq.s32 s10, $0x1;
	s10 =	sld [smem:$0x3FB9];
	_ =	sdelay $0x3  }
0x34: {  	[smem:$0x3FB9] =	sst s10  }
0x35: {  	s10 =	sld [smem:$0x3FB8];
	_ =	sdelay $0x3  }
0x36: {  	p1 =	seq.s32 s10, $0x1;
	s10 =	sld [smem:$0x3FB9];
	_ =	sdelay $0x3  }
0x37: {  	[smem:$0x3FB9] =	sst s10  }
0x38: {  	s10 =	sld [smem:$0x3FBA]  }
0x39: {  	_ = 	snop;
	(pc) =	sbr.ind lr, $3  }
0x3a: {  	_ = 	snop  }
0x3b: {  	_ = 	snop  }
0x3c: {  	p2 =	seq.s32 s10, $0x1;
	s10 =	sld [smem:$0x3FB9]  }
0x3d: {  	_ =	shalt  }
0x3e: {  	_ =	shalt  }
0x3f: {  	_ =	shalt  }
0x40: {  	_ =	shalt  }
0x41: {  	_ =	shalt  }
0x42: {  	_ =	shalt  }
0x43: {  	_ =	shalt  }
0x44: {  	_ =	shalt  }
0x45: {  	_ =	shalt  }
0x46: {  	_ =	shalt  }
0x47: {  	_ =	shalt  }
0x48: {  	_ =	shalt  }
0x49: {  	_ =	shalt  }
0x4a: {  	_ =	shalt  }
0x4b: {  	_ =	shalt  }
0x4c: {  	_ =	shalt  }
0x4d: {  	_ =	shalt  }
0x4e: {  	_ =	shalt  }
0x4f: {  	_ =	shalt  }
0x50: {  	_ =	shalt  }
0x51: {  	_ =	shalt  }
0x52: {  	_ =	shalt  }
0x53: {  	_ =	shalt  }
0x54: {  	_ =	shalt  }
0x55: {  	_ =	shalt  }
0x56: {  	_ =	shalt  }
0x57: {  	_ =	shalt  }
0x58: {  	_ =	shalt  }
0x59: {  	_ =	shalt  }
0x5a: {  	_ =	shalt  }
0x5b: {  	_ =	shalt  }
0x5c: {  	_ =	shalt  }
0x5d: {  	_ =	shalt  }
0x5e: {  	_ =	shalt  }
0x5f: {  	_ =	shalt  }
0x60: {  	_ =	shalt  }
0x61: {  	_ =	shalt  }
0x62: {  	_ =	shalt  }
0x63: {  	_ =	shalt  }
0x64: {  	_ =	shalt  }
0x65: {  	_ =	shalt  }
0x66: {  	_ =	shalt  }
0x67: {  	_ =	shalt  }
0x68: {  	_ =	shalt  }
0x69: {  	_ =	shalt  }
0x6a: {  	_ =	shalt  }
0x6b: {  	_ =	shalt  }
0x6c: {  	_ =	shalt  }
0x6d: {  	_ =	shalt  }
0x6e: {  	_ =	shalt  }
0x6f: {  	_ =	shalt  }
0x70: {  	_ =	shalt  }
0x71: {  	_ =	shalt  }
0x72: {  	_ =	shalt  }
0x73: {  	_ =	shalt  }
0x74: {  	_ =	shalt  }
0x75: {  	_ =	shalt  }
0x76: {  	_ =	shalt  }
0x77: {  	_ =	shalt  }
0x78: {  	_ =	shalt  }
0x79: {  	_ =	shalt  }
0x7a: {  	_ =	shalt  }
0x7b: {  	_ =	shalt  }
0x7c: {  	_ =	shalt  }
0x7d: {  	_ =	shalt  }
0x7e: {  	_ =	shalt  }
0x7f: {  	_ =	shalt  }
0x80: {  	_ =	shalt  }
0x81: {  	_ =	shalt  }
0x82: {  	_ =	shalt  }
0x83: {  	_ =	shalt  }
0x84: {  	_ =	shalt  }
0x85: {  	_ =	shalt  }
0x86: {  	_ =	shalt  }
0x87: {  	_ =	shalt  }
.Lfunc_end0:
.L_simem_size_0:
called_computation.2_lowered:
.L_overlay_start_0:
0x88: {  	s2 =	sld [smem:$0x3FD9]  }
0x89: {  	s3 =	sld [smem:$0x3FFE];
	_ =	sdelay $0x1  }
0x8a: {  	s1 =	srdreg.scid  }
0x8b: {  	s0 =	sand.u32 $0x1, s1  }
0x8c: {  	s14 =	sshll.u32 s0, $0xA;
	s2 =	sadd.s32 s3, s2  }
0x8d: {  	s2 =	sadd.s32 s2, s14  }
0x8e: {  	[smem:$0x3FC5] =	sst s2  }
0x8f: {  	_ = 	snop  }
0x90: {  	s2 =	sld [smem:$0x3FD0];
	_ =	sdelay $0x2  }
0x91: {  	s15 =	simm.s32 $0xA;
	s4 =	simm.s32 $0x10  }
0x92: {  	[smem:s4], [sflag:s15] =	dma.local [hbm:s2], $0x1  }
0x93: {  	_ =	swait.eq [sflag:s15], $0x1  }
0x94: {  	[sflag:s15] =	ssyncset.done $0x0  }
0x95: {  	[sflag:s15] =	ssyncadd.s32 $0xFFFFFFFF  }
0x96: {  	s16 =	sld [smem:$0x10];
	(tm) =	ssettm $0x1  }
0x97: {  	s17 =	sld [smem:$0x3FFB];
	_ =	sdelay $0x3  }
0x98: {  	_ =	strace s17  }
0x99: {  	s3 =	sld [smem:$0x3FFC];
	_ =	sdelay $0x3  }
0x9a: {  	_ =	strace s3  }
0x9b: {  	s3 =	sld [smem:$0x3FFD];
	_ =	sdelay $0x3  }
0x9c: {  	_ =	strace s3  }
0x9d: {  	_ =	strace $0x8FFFFFFF  }
0x9e: {  	s18 =	sld [smem:$0x3FDB];
	_ =	sdelay $0x1  }
0x9f: {  	s19 =	simm.s32 $_scs_section_size  }
0xa0: {  	s5 =	simm.s32 $_size__tile_overlayer_lowered;
	s6 =	simm.s32 $_tile_overlayer_lowered  }
0xa1: {  	s22 =	simm.s32 $0x1BFF;
	s21 =	sshll.u32 s6, $0x1;
	s3 =	sadd.s32 s19, s18  }
0xa2: {  	s7 =	simm.s32 $0x0;
	s20 =	sshll.u32 s5, $0x1;
	s5 =	sadd.s32 s21, s3  }
0xa3: {  	[timem:s7], [sflag:s22] =	dma.local [hbm:s5], s20  }
0xa4: {  	_ =	swait.ge [sflag:s22], s20  }
0xa5: {  	s4 =	ssub.s32 $0x0, s20;
	[sflag:s22] =	ssyncset.done $0x0  }
0xa6: {  	[sflag:s22] =	ssyncadd.s32 s4;
	_ =	sdelay $0x1  }
0xa7: {  	s23 =	simm.s32 $0x1B8B  }
0xa8: {  	_ =	swait.ge [sflag:s23], $0x1  }
0xa9: {  	[sflag:s23] =	ssyncset.done $0x0  }
0xaa: {  	s25 =	simm.s32 $0x1B8E;
	s24 =	sld [smem:$0x3FFE];
	[sflag:s23] =	ssyncadd.s32 $0xFFFFFFFF  }
0xab: {  	s26 =	simm.s32 $execute0_lowered;
	[smem:$0x3FD2] =	sst s25  }
0xac: {  	s5 =	sshll.u32 s26, $0x1;
	_ =	strace $0x8000004C;
	[dreg:$0x1] =	wrdreg $0xFFFFFFFF  }
0xad: {  	s28 =	simm.s32 $_size_execute0_lowered;
	s3 =	sadd.s32 s3, s5;
	[dreg:$0x0] =	wrdreg $0x0  }
0xae: {  	s5 =	sshll.u32 s28, $0x1;
	[dreg:$0x2] =	wrdreg s3  }
0xaf: {  	[dreg:$0x3] =	wrdreg s5  }
0xb0: {  	[dreg:$0x4] =	wrdreg $0xC0  }
0xb1: {  	_ =	task [dreg:s7], $0x5FFFF  }
0xb2: {  	[dreg:$0x1] =	wrdreg $0xFFFFFFFF  }
0xb3: {  	[dreg:$0x0] =	wrdreg $0x60  }
0xb4: {  	[dreg:$0x2] =	wrdreg s24  }
0xb5: {  	[dreg:$0x3] =	wrdreg s16  }
0xb6: {  	[dreg:$0x4] =	wrdreg $0x9  }
0xb7: {  	_ =	task.clear_ibuf [dreg:s7], $0x5FFFF;
	_ =	strace $0x9000004C  }
0xb8: {  	s29 =	simm.s32 $0x9;
	_ =	strace $0x8000004E  }
0xb9: {  	_ =	swait.ge [sflag:s29], $0x1  }
0xba: {  	[sflag:s29] =	ssyncadd.s32 $0xFFFFFFFF  }
0xbb: {  	_ =	strace $0x9000004E  }
0xbc: {  	_ =	sfence  }
0xbd: {  	s30 =	sld [smem:$0x0];
	_ =	sdelay $0x2  }
0xbe: {  	s31 =	sshll.u32 s1, $0xD;
	s1 =	sshrl.u32 s1, $0x2  }
0xbf: {  	s3 =	sand.u32 $0x4000, s31;
	s1 =	sadd.s32 s1, s30  }
0xc0: {  	s0 =	sor.u32 s3, s0;
	s1 =	sshll.u32 s1, $0x11  }
0xc1: {  	s0 =	sor.u32 s1, s0  }
0xc2: {  	s0 =	sadd.s32 $0x8F2B, s0  }
0xc3: {  	[sflag:s0] =	ssyncadd.remote.s32 $0x1  }
0xc4: {  	_ =	sfence.sel $0xFFFF  }
0xc5: {  	[dreg:$0x0] =	wrdreg $0xFFFFFFFF;
	(pc) =	sbr.abs _section_cstart, $3  }
0xc6: {  	[dreg:$0x1] =	wrdreg $0xFFFFFFFF  }
0xc7: {  	_ =	task.clear_ibuf [dreg:s7], $0x2FFFF;
	_ =	strace $0x9FFFFFFF  }
0xc8: {  	(tm) =	ssettm $0x7FFFFFFF  }
0xc9: {  	_ =	shalt  }
tec
execute0_lowered:
.L_overlay_start_1:
0x0: {  	(tag) =	ssettag $0x1  }
0x1: {  	s0 =	srdreg.scid;
	s1 =	stileid.u32  }
0x2: {  	s31 =	sand.u32 $0x1, s0;
	s25 =	sshll.u32 s1, $0x1  }
0x3: {  	s4 =	rddreg [dreg:$0x0];
	s3 =	sor.u32 s31, s25  }
0x4: {  	s30 =	rddreg [dreg:$0x1];
	s2 =	simm.s32 $0x0;
	s0 =	smul.u32 $0x3200, s3  }
0x5: {  	[smem:$0x7FF] =	sst s2;
	s1 =	sadd.s32 $0x13F200, s4;
	s3 =	smul.u32 $0x32000, s3  }
0x6: {  	_ =	strace $0x8000004D;
	s5 =	sshrl.u32 s0, $0x3;
	s6 =	sadd.s32 $0x320, s0  }
0x7: {  	s3 =	sadd.s32 s1, s3;
	s9 =	sadd.s32 $0x640, s0;
	s11 =	sadd.s32 $0x960, s0  }
0x8: {  	s5 =	sadd.s32 s30, s5;
	s26 =	sshrl.u32 s6, $0x3;
	[dreg:$0x4] =	wrdreg s3  }
0x9: {  	s7 =	sshll.u32 s6, $0x4;
	[dreg:$0x3] =	wrdreg s5;
	s5 =	sadd.s32 s30, s26  }
0xa: {  	s10 =	sshrl.u32 s9, $0x3;
	s8 =	sadd.s32 s1, s7;
	[dreg:$0x5] =	wrdreg s5  }
0xb: {  	s13 =	sshrl.u32 s11, $0x3;
	s3 =	sadd.s32 s30, s10;
	[dreg:$0x6] =	wrdreg s8  }
0xc: {  	s14 =	sadd.s32 s30, s13;
	[dreg:$0x7] =	wrdreg s3  }
0xd: {  	s15 =	sshll.u32 s11, $0x4;
	s5 =	sshll.u32 s9, $0x4;
	[dreg:$0x9] =	wrdreg s14  }
0xe: {  	s8 =	sadd.s32 $0xC80, s0;
	s3 =	sadd.s32 s1, s15;
	s17 =	rddreg [dreg:$0x3]  }
0xf: {  	s12 =	sadd.s32 s1, s5;
	s16 =	sshrl.u32 s8, $0x3;
	[dreg:$0xa] =	wrdreg s3  }
0x10: {  	[tilespmem:s2], [sflag:$0x2] =	stream.linear.gather [hbm4b:s17+s2], $0x320, $0x38;
	[tilespmem:$0x19380] =	vst v63  }
0x11: {  	[dreg:$0x8] =	wrdreg s12;
	s18 =	sadd.s32 s30, s16  }
0x12: {  	s3 =	simm.s32 $0x2;
	[dreg:$0xb] =	wrdreg s18  }
0x13: {  	_ =	swait.ge [sflag:s3], $0x320  }
0x14: {  	s4 =	sadd.s32 $0x13C000, s4;
	s6 =	simm.s32 $0x380;
	[sflag:s3] =	ssyncset.done $0x0  }
0x15: {  	s7 =	simm.s32 $0x1;
	s5 =	simm.s32 $0x320;
	[sflag:s3] =	ssyncadd.s32 $0xFFFFFCE0  }
0x16: {  	[tilespmem:s6], [sflag:$0x1] =	stream.indirect.gather [hbm4b:s4+s5], $0x80, s2, s5, $0xb8;
	[tilespmem:$0x19380] =	vst v63  }
0x17: {  	_ =	swait.ge [sflag:s7], $0x19000  }
0x18: {  	[sflag:s7] =	ssyncset.done $0x0  }
0x19: {  	s9 =	rddreg [dreg:$0x4];
	[sflag:s7] =	ssyncadd.s32 $0xFFFE7000  }
0x1a: {  	[hbm4b:s9+s2] =	stream.linear.scatter [tilespmem:s6], [sflag:$0x2], $0x19000, $0x38;
	[tilespmem:$0x19380] =	vst v63  }
0x1b: {  	_ =	swait.ge [sflag:s3], $0x19000  }
0x1c: {  	[sflag:s3] =	ssyncset.done $0x0  }
0x1d: {  	s19 =	rddreg [dreg:$0x5];
	[sflag:s3] =	ssyncadd.s32 $0xFFFE7000  }
0x1e: {  	[tilespmem:s2], [sflag:$0x2] =	stream.linear.gather [hbm4b:s19+s2], $0x320, $0x38;
	[tilespmem:$0x19380] =	vst v63  }
0x1f: {  	_ =	swait.ge [sflag:s3], $0x320  }
0x20: {  	[sflag:s3] =	ssyncset.done $0x0  }
0x21: {  	[sflag:s3] =	ssyncadd.s32 $0xFFFFFCE0  }
0x22: {  	[tilespmem:s6], [sflag:$0x1] =	stream.indirect.gather [hbm4b:s4+s5], $0x80, s2, s5, $0xb8;
	[tilespmem:$0x19380] =	vst v63  }
0x23: {  	_ =	swait.ge [sflag:s7], $0x19000  }
0x24: {  	[sflag:s7] =	ssyncset.done $0x0  }
0x25: {  	s20 =	rddreg [dreg:$0x6];
	[sflag:s7] =	ssyncadd.s32 $0xFFFE7000  }
0x26: {  	[hbm4b:s20+s2] =	stream.linear.scatter [tilespmem:s6], [sflag:$0x2], $0x19000, $0x38;
	[tilespmem:$0x19380] =	vst v63  }
0x27: {  	_ =	swait.ge [sflag:s3], $0x19000  }
0x28: {  	[sflag:s3] =	ssyncset.done $0x0  }
0x29: {  	s21 =	rddreg [dreg:$0x7];
	[sflag:s3] =	ssyncadd.s32 $0xFFFE7000  }
0x2a: {  	[tilespmem:s2], [sflag:$0x2] =	stream.linear.gather [hbm4b:s21+s2], $0x320, $0x38;
	[tilespmem:$0x19380] =	vst v63  }
0x2b: {  	_ =	swait.ge [sflag:s3], $0x320  }
0x2c: {  	[sflag:s3] =	ssyncset.done $0x0  }
0x2d: {  	[sflag:s3] =	ssyncadd.s32 $0xFFFFFCE0  }
0x2e: {  	[tilespmem:s6], [sflag:$0x1] =	stream.indirect.gather [hbm4b:s4+s5], $0x80, s2, s5, $0xb8;
	[tilespmem:$0x19380] =	vst v63  }
0x2f: {  	_ =	swait.ge [sflag:s7], $0x19000  }
0x30: {  	[sflag:s7] =	ssyncset.done $0x0  }
0x31: {  	s22 =	rddreg [dreg:$0x8];
	[sflag:s7] =	ssyncadd.s32 $0xFFFE7000  }
0x32: {  	[hbm4b:s22+s2] =	stream.linear.scatter [tilespmem:s6], [sflag:$0x2], $0x19000, $0x38;
	[tilespmem:$0x19380] =	vst v63  }
0x33: {  	_ =	swait.ge [sflag:s3], $0x19000  }
0x34: {  	[sflag:s3] =	ssyncset.done $0x0  }
0x35: {  	s23 =	rddreg [dreg:$0x9];
	[sflag:s3] =	ssyncadd.s32 $0xFFFE7000  }
0x36: {  	[tilespmem:s2], [sflag:$0x2] =	stream.linear.gather [hbm4b:s23+s2], $0x320, $0x38;
	[tilespmem:$0x19380] =	vst v63  }
0x37: {  	_ =	swait.ge [sflag:s3], $0x320  }
0x38: {  	[sflag:s3] =	ssyncset.done $0x0  }
0x39: {  	[sflag:s3] =	ssyncadd.s32 $0xFFFFFCE0  }
0x3a: {  	[tilespmem:s6], [sflag:$0x1] =	stream.indirect.gather [hbm4b:s4+s5], $0x80, s2, s5, $0xb8;
	[tilespmem:$0x19380] =	vst v63  }
0x3b: {  	_ =	swait.ge [sflag:s7], $0x19000  }
0x3c: {  	[sflag:s7] =	ssyncset.done $0x0  }
0x3d: {  	s24 =	rddreg [dreg:$0xa];
	[sflag:s7] =	ssyncadd.s32 $0xFFFE7000  }
0x3e: {  	[hbm4b:s24+s2] =	stream.linear.scatter [tilespmem:s6], [sflag:$0x2], $0x19000, $0x38;
	[tilespmem:$0x19380] =	vst v63  }
0x3f: {  	_ =	swait.ge [sflag:s3], $0x19000  }
0x40: {  	[sflag:s3] =	ssyncset.done $0x0  }
0x41: {  	s25 =	rddreg [dreg:$0xb];
	[sflag:s3] =	ssyncadd.s32 $0xFFFE7000  }
0x42: {  	[tilespmem:s2], [sflag:$0x2] =	stream.linear.gather [hbm4b:s25+s2], $0x320, $0x38;
	[tilespmem:$0x19380] =	vst v63  }
0x43: {  	_ =	swait.ge [sflag:s3], $0x320  }
0x44: {  	[sflag:s3] =	ssyncset.done $0x0  }
0x45: {  	[sflag:s3] =	ssyncadd.s32 $0xFFFFFCE0  }
0x46: {  	[tilespmem:s6], [sflag:$0x1] =	stream.indirect.gather [hbm4b:s4+s5], $0x80, s2, s5, $0xb8;
	[tilespmem:$0x19380] =	vst v63  }
0x47: {  	_ =	swait.ge [sflag:s7], $0x19000  }
0x48: {  	s8 =	sshll.u32 s8, $0x4;
	[sflag:s7] =	ssyncset.done $0x0  }
0x49: {  	s8 =	sadd.s32 s1, s8;
	[sflag:s7] =	ssyncadd.s32 $0xFFFE7000  }
0x4a: {  	[hbm4b:s8+s2] =	stream.linear.scatter [tilespmem:s6], [sflag:$0x2], $0x19000, $0x38;
	[tilespmem:$0x19380] =	vst v63  }
0x4b: {  	s10 =	sadd.s32 $0xFA0, s0;
	_ =	swait.ge [sflag:s3], $0x19000  }
0x4c: {  	s26 =	sshrl.u32 s10, $0x3;
	[sflag:s3] =	ssyncset.done $0x0  }
0x4d: {  	s9 =	sadd.s32 s30, s26;
	[sflag:s3] =	ssyncadd.s32 $0xFFFE7000  }
0x4e: {  	[tilespmem:s2], [sflag:$0x2] =	stream.linear.gather [hbm4b:s9+s2], $0x320, $0x38;
	[tilespmem:$0x19380] =	vst v63  }
0x4f: {  	_ =	swait.ge [sflag:s3], $0x320  }
0x50: {  	[sflag:s3] =	ssyncset.done $0x0  }
0x51: {  	[sflag:s3] =	ssyncadd.s32 $0xFFFFFCE0  }
0x52: {  	[tilespmem:s6], [sflag:$0x1] =	stream.indirect.gather [hbm4b:s4+s5], $0x80, s2, s5, $0xb8;
	[tilespmem:$0x19380] =	vst v63  }
0x53: {  	_ =	swait.ge [sflag:s7], $0x19000  }
0x54: {  	s10 =	sshll.u32 s10, $0x4;
	[sflag:s7] =	ssyncset.done $0x0  }
0x55: {  	s10 =	sadd.s32 s1, s10;
	[sflag:s7] =	ssyncadd.s32 $0xFFFE7000  }
0x56: {  	[hbm4b:s10+s2] =	stream.linear.scatter [tilespmem:s6], [sflag:$0x2], $0x19000, $0x38;
	[tilespmem:$0x19380] =	vst v63  }
0x57: {  	s12 =	sadd.s32 $0x12C0, s0;
	_ =	swait.ge [sflag:s3], $0x19000  }
0x58: {  	s11 =	sshrl.u32 s12, $0x3;
	[sflag:s3] =	ssyncset.done $0x0  }
0x59: {  	s11 =	sadd.s32 s30, s11;
	[sflag:s3] =	ssyncadd.s32 $0xFFFE7000  }
0x5a: {  	[tilespmem:s2], [sflag:$0x2] =	stream.linear.gather [hbm4b:s11+s2], $0x320, $0x38;
	[tilespmem:$0x19380] =	vst v63  }
0x5b: {  	_ =	swait.ge [sflag:s3], $0x320  }
0x5c: {  	[sflag:s3] =	ssyncset.done $0x0  }
0x5d: {  	[sflag:s3] =	ssyncadd.s32 $0xFFFFFCE0  }
0x5e: {  	[tilespmem:s6], [sflag:$0x1] =	stream.indirect.gather [hbm4b:s4+s5], $0x80, s2, s5, $0xb8;
	[tilespmem:$0x19380] =	vst v63  }
0x5f: {  	_ =	swait.ge [sflag:s7], $0x19000  }
0x60: {  	s12 =	sshll.u32 s12, $0x4;
	[sflag:s7] =	ssyncset.done $0x0  }
0x61: {  	s12 =	sadd.s32 s1, s12;
	[sflag:s7] =	ssyncadd.s32 $0xFFFE7000  }
0x62: {  	[hbm4b:s12+s2] =	stream.linear.scatter [tilespmem:s6], [sflag:$0x2], $0x19000, $0x38;
	[tilespmem:$0x19380] =	vst v63  }
0x63: {  	s14 =	sadd.s32 $0x15E0, s0;
	_ =	swait.ge [sflag:s3], $0x19000  }
0x64: {  	s13 =	sshrl.u32 s14, $0x3;
	[sflag:s3] =	ssyncset.done $0x0  }
0x65: {  	s13 =	sadd.s32 s30, s13;
	[sflag:s3] =	ssyncadd.s32 $0xFFFE7000  }
0x66: {  	[tilespmem:s2], [sflag:$0x2] =	stream.linear.gather [hbm4b:s13+s2], $0x320, $0x38;
	[tilespmem:$0x19380] =	vst v63  }
0x67: {  	_ =	swait.ge [sflag:s3], $0x320  }
0x68: {  	[sflag:s3] =	ssyncset.done $0x0  }
0x69: {  	[sflag:s3] =	ssyncadd.s32 $0xFFFFFCE0  }
0x6a: {  	[tilespmem:s6], [sflag:$0x1] =	stream.indirect.gather [hbm4b:s4+s5], $0x80, s2, s5, $0xb8;
	[tilespmem:$0x19380] =	vst v63  }
0x6b: {  	_ =	swait.ge [sflag:s7], $0x19000  }
0x6c: {  	s14 =	sshll.u32 s14, $0x4;
	[sflag:s7] =	ssyncset.done $0x0  }
0x6d: {  	s14 =	sadd.s32 s1, s14;
	[sflag:s7] =	ssyncadd.s32 $0xFFFE7000  }
0x6e: {  	[hbm4b:s14+s2] =	stream.linear.scatter [tilespmem:s6], [sflag:$0x2], $0x19000, $0x38;
	[tilespmem:$0x19380] =	vst v63  }
0x6f: {  	s16 =	sadd.s32 $0x1900, s0;
	_ =	swait.ge [sflag:s3], $0x19000  }
0x70: {  	s15 =	sshrl.u32 s16, $0x3;
	[sflag:s3] =	ssyncset.done $0x0  }
0x71: {  	s15 =	sadd.s32 s30, s15;
	[sflag:s3] =	ssyncadd.s32 $0xFFFE7000  }
0x72: {  	[tilespmem:s2], [sflag:$0x2] =	stream.linear.gather [hbm4b:s15+s2], $0x320, $0x38;
	[tilespmem:$0x19380] =	vst v63  }
0x73: {  	_ =	swait.ge [sflag:s3], $0x320  }
0x74: {  	[sflag:s3] =	ssyncset.done $0x0  }
0x75: {  	[sflag:s3] =	ssyncadd.s32 $0xFFFFFCE0  }
0x76: {  	[tilespmem:s6], [sflag:$0x1] =	stream.indirect.gather [hbm4b:s4+s5], $0x80, s2, s5, $0xb8;
	[tilespmem:$0x19380] =	vst v63  }
0x77: {  	_ =	swait.ge [sflag:s7], $0x19000  }
0x78: {  	s16 =	sshll.u32 s16, $0x4;
	[sflag:s7] =	ssyncset.done $0x0  }
0x79: {  	s16 =	sadd.s32 s1, s16;
	[sflag:s7] =	ssyncadd.s32 $0xFFFE7000  }
0x7a: {  	[hbm4b:s16+s2] =	stream.linear.scatter [tilespmem:s6], [sflag:$0x2], $0x19000, $0x38;
	[tilespmem:$0x19380] =	vst v63  }
0x7b: {  	s18 =	sadd.s32 $0x1C20, s0;
	_ =	swait.ge [sflag:s3], $0x19000  }
0x7c: {  	s17 =	sshrl.u32 s18, $0x3;
	[sflag:s3] =	ssyncset.done $0x0  }
0x7d: {  	s17 =	sadd.s32 s30, s17;
	[sflag:s3] =	ssyncadd.s32 $0xFFFE7000  }
0x7e: {  	[tilespmem:s2], [sflag:$0x2] =	stream.linear.gather [hbm4b:s17+s2], $0x320, $0x38;
	[tilespmem:$0x19380] =	vst v63  }
0x7f: {  	_ =	swait.ge [sflag:s3], $0x320  }
0x80: {  	[sflag:s3] =	ssyncset.done $0x0  }
0x81: {  	[sflag:s3] =	ssyncadd.s32 $0xFFFFFCE0  }
0x82: {  	[tilespmem:s6], [sflag:$0x1] =	stream.indirect.gather [hbm4b:s4+s5], $0x80, s2, s5, $0xb8;
	[tilespmem:$0x19380] =	vst v63  }
0x83: {  	_ =	swait.ge [sflag:s7], $0x19000  }
0x84: {  	s18 =	sshll.u32 s18, $0x4;
	[sflag:s7] =	ssyncset.done $0x0  }
0x85: {  	s18 =	sadd.s32 s1, s18;
	[sflag:s7] =	ssyncadd.s32 $0xFFFE7000  }
0x86: {  	[hbm4b:s18+s2] =	stream.linear.scatter [tilespmem:s6], [sflag:$0x2], $0x19000, $0x38;
	[tilespmem:$0x19380] =	vst v63  }
0x87: {  	s20 =	sadd.s32 $0x1F40, s0;
	_ =	swait.ge [sflag:s3], $0x19000  }
0x88: {  	s19 =	sshrl.u32 s20, $0x3;
	[sflag:s3] =	ssyncset.done $0x0  }
0x89: {  	s19 =	sadd.s32 s30, s19;
	[sflag:s3] =	ssyncadd.s32 $0xFFFE7000  }
0x8a: {  	[tilespmem:s2], [sflag:$0x2] =	stream.linear.gather [hbm4b:s19+s2], $0x320, $0x38;
	[tilespmem:$0x19380] =	vst v63  }
0x8b: {  	_ =	swait.ge [sflag:s3], $0x320  }
0x8c: {  	[sflag:s3] =	ssyncset.done $0x0  }
0x8d: {  	[sflag:s3] =	ssyncadd.s32 $0xFFFFFCE0  }
0x8e: {  	[tilespmem:s6], [sflag:$0x1] =	stream.indirect.gather [hbm4b:s4+s5], $0x80, s2, s5, $0xb8;
	[tilespmem:$0x19380] =	vst v63  }
0x8f: {  	_ =	swait.ge [sflag:s7], $0x19000  }
0x90: {  	s20 =	sshll.u32 s20, $0x4;
	[sflag:s7] =	ssyncset.done $0x0  }
0x91: {  	s20 =	sadd.s32 s1, s20;
	[sflag:s7] =	ssyncadd.s32 $0xFFFE7000  }
0x92: {  	[hbm4b:s20+s2] =	stream.linear.scatter [tilespmem:s6], [sflag:$0x2], $0x19000, $0x38;
	[tilespmem:$0x19380] =	vst v63  }
0x93: {  	s22 =	sadd.s32 $0x2260, s0;
	_ =	swait.ge [sflag:s3], $0x19000  }
0x94: {  	s21 =	sshrl.u32 s22, $0x3;
	[sflag:s3] =	ssyncset.done $0x0  }
0x95: {  	s21 =	sadd.s32 s30, s21;
	[sflag:s3] =	ssyncadd.s32 $0xFFFE7000  }
0x96: {  	[tilespmem:s2], [sflag:$0x2] =	stream.linear.gather [hbm4b:s21+s2], $0x320, $0x38;
	[tilespmem:$0x19380] =	vst v63  }
0x97: {  	_ =	swait.ge [sflag:s3], $0x320  }
0x98: {  	[sflag:s3] =	ssyncset.done $0x0  }
0x99: {  	[sflag:s3] =	ssyncadd.s32 $0xFFFFFCE0  }
0x9a: {  	[tilespmem:s6], [sflag:$0x1] =	stream.indirect.gather [hbm4b:s4+s5], $0x80, s2, s5, $0xb8;
	[tilespmem:$0x19380] =	vst v63  }
0x9b: {  	_ =	swait.ge [sflag:s7], $0x19000  }
0x9c: {  	s22 =	sshll.u32 s22, $0x4;
	[sflag:s7] =	ssyncset.done $0x0  }
0x9d: {  	s22 =	sadd.s32 s1, s22;
	[sflag:s7] =	ssyncadd.s32 $0xFFFE7000  }
0x9e: {  	[hbm4b:s22+s2] =	stream.linear.scatter [tilespmem:s6], [sflag:$0x2], $0x19000, $0x38;
	[tilespmem:$0x19380] =	vst v63  }
0x9f: {  	s24 =	sadd.s32 $0x2580, s0;
	_ =	swait.ge [sflag:s3], $0x19000  }
0xa0: {  	s23 =	sshrl.u32 s24, $0x3;
	[sflag:s3] =	ssyncset.done $0x0  }
0xa1: {  	s23 =	sadd.s32 s30, s23;
	[sflag:s3] =	ssyncadd.s32 $0xFFFE7000  }
0xa2: {  	[tilespmem:s2], [sflag:$0x2] =	stream.linear.gather [hbm4b:s23+s2], $0x320, $0x38;
	[tilespmem:$0x19380] =	vst v63  }
0xa3: {  	_ =	swait.ge [sflag:s3], $0x320  }
0xa4: {  	[sflag:s3] =	ssyncset.done $0x0  }
0xa5: {  	[sflag:s3] =	ssyncadd.s32 $0xFFFFFCE0  }
0xa6: {  	[tilespmem:s6], [sflag:$0x1] =	stream.indirect.gather [hbm4b:s4+s5], $0x80, s2, s5, $0xb8;
	[tilespmem:$0x19380] =	vst v63  }
0xa7: {  	_ =	swait.ge [sflag:s7], $0x19000  }
0xa8: {  	s24 =	sshll.u32 s24, $0x4;
	[sflag:s7] =	ssyncset.done $0x0  }
0xa9: {  	s24 =	sadd.s32 s1, s24;
	[sflag:s7] =	ssyncadd.s32 $0xFFFE7000  }
0xaa: {  	[hbm4b:s24+s2] =	stream.linear.scatter [tilespmem:s6], [sflag:$0x2], $0x19000, $0x38;
	[tilespmem:$0x19380] =	vst v63  }
0xab: {  	s26 =	sadd.s32 $0x28A0, s0;
	_ =	swait.ge [sflag:s3], $0x19000  }
0xac: {  	s25 =	sshrl.u32 s26, $0x3;
	[sflag:s3] =	ssyncset.done $0x0  }
0xad: {  	s25 =	sadd.s32 s30, s25;
	[sflag:s3] =	ssyncadd.s32 $0xFFFE7000  }
0xae: {  	[tilespmem:s2], [sflag:$0x2] =	stream.linear.gather [hbm4b:s25+s2], $0x320, $0x38;
	[tilespmem:$0x19380] =	vst v63  }
0xaf: {  	_ =	swait.ge [sflag:s3], $0x320  }
0xb0: {  	[sflag:s3] =	ssyncset.done $0x0  }
0xb1: {  	[sflag:s3] =	ssyncadd.s32 $0xFFFFFCE0  }
0xb2: {  	[tilespmem:s6], [sflag:$0x1] =	stream.indirect.gather [hbm4b:s4+s5], $0x80, s2, s5, $0xb8;
	[tilespmem:$0x19380] =	vst v63  }
0xb3: {  	_ =	swait.ge [sflag:s7], $0x19000  }
0xb4: {  	s26 =	sshll.u32 s26, $0x4;
	[sflag:s7] =	ssyncset.done $0x0  }
0xb5: {  	s26 =	sadd.s32 s1, s26;
	[dreg:$0xc] =	wrdreg s1;
	[sflag:s7] =	ssyncadd.s32 $0xFFFE7000  }
0xb6: {  	[hbm4b:s26+s2] =	stream.linear.scatter [tilespmem:s6], [sflag:$0x2], $0x19000, $0x38;
	[tilespmem:$0x19380] =	vst v63  }
0xb7: {  	s29 =	sadd.s32 $0x2BC0, s0;
	_ =	swait.ge [sflag:s3], $0x19000  }
0xb8: {  	s28 =	sshrl.u32 s29, $0x3;
	[sflag:s3] =	ssyncset.done $0x0  }
0xb9: {  	s28 =	sadd.s32 s30, s28;
	[sflag:s3] =	ssyncadd.s32 $0xFFFE7000  }
0xba: {  	[tilespmem:s2], [sflag:$0x2] =	stream.linear.gather [hbm4b:s28+s2], $0x320, $0x38;
	[tilespmem:$0x19380] =	vst v63  }
0xbb: {  	_ =	swait.ge [sflag:s3], $0x320  }
0xbc: {  	[sflag:s3] =	ssyncset.done $0x0  }
0xbd: {  	[sflag:s3] =	ssyncadd.s32 $0xFFFFFCE0  }
0xbe: {  	[tilespmem:s6], [sflag:$0x1] =	stream.indirect.gather [hbm4b:s4+s5], $0x80, s2, s5, $0xb8;
	[tilespmem:$0x19380] =	vst v63  }
0xbf: {  	_ =	swait.ge [sflag:s7], $0x19000  }
0xc0: {  	s29 =	sshll.u32 s29, $0x4;
	[sflag:s7] =	ssyncset.done $0x0  }
0xc1: {  	s29 =	sadd.s32 s1, s29;
	s0 =	sadd.s32 $0x2EE0, s0;
	[sflag:s7] =	ssyncadd.s32 $0xFFFE7000  }
0xc2: {  	[hbm4b:s29+s2] =	stream.linear.scatter [tilespmem:s6], [sflag:$0x2], $0x19000, $0x38;
	[tilespmem:$0x19380] =	vst v63  }
0xc3: {  	s1 =	sshrl.u32 s0, $0x3;
	_ =	swait.ge [sflag:s3], $0x19000  }
0xc4: {  	s30 =	sadd.s32 s30, s1;
	s1 =	ssub.s32 $0x2, s31;
	[sflag:s3] =	ssyncset.done $0x0  }
0xc5: {  	s31 =	sshrl.u32 s1, $0x1;
	[sflag:s3] =	ssyncadd.s32 $0xFFFE7000  }
0xc6: {  	[tilespmem:s2], [sflag:$0x2] =	stream.linear.gather [hbm4b:s30+s2], $0x320, $0x38;
	[tilespmem:$0x19380] =	vst v63  }
0xc7: {  	s1 =	ssub.s32 s1, s31;
	_ =	swait.ge [sflag:s3], $0x320  }
0xc8: {  	s1 =	smax.u32 s1, $0x1;
	[sflag:s3] =	ssyncset.done $0x0  }
0xc9: {  	p0 =	sne.s32 s1, $0x1;
	[sflag:s3] =	ssyncadd.s32 $0xFFFFFCE0  }
0xca: {  	[tilespmem:s6], [sflag:$0x1] =	stream.indirect.gather [hbm4b:s4+s5], $0x80, s2, s5, $0xb8;
	[tilespmem:$0x19380] =	vst v63  }
.Ltmp0:
0xcb: {  	_ =	swait.ge [sflag:s7], $0x19000;
	(pc) =	sbr.rel @!p0 .LBB2_2-.Ltmp0, $4  }
0xcc: {  	s0 =	sshll.u32 s0, $0x4;
	[sflag:s7] =	ssyncset.done $0x0;
	s31 =	rddreg [dreg:$0xc]  }
0xcd: {  	s31 =	sadd.s32 s31, s0;
	[sflag:s7] =	ssyncadd.s32 $0xFFFE7000  }
0xce: {  	[hbm4b:s31+s2] =	stream.linear.scatter [tilespmem:s6], [sflag:$0x2], $0x19000, $0x38;
	[tilespmem:$0x19380] =	vst v63  }
0xcf: {  	s1 =	sadd.s32 $0xFFFFFFFF, s1;
	_ =	swait.ge [sflag:s3], $0x19000  }
.LBB2_1:
0xd0: {  	[sflag:s3] =	ssyncset.done $0x0  }
0xd1: {  	s0 =	rddreg [dreg:$0x3];
	[sflag:s3] =	ssyncadd.s32 $0xFFFE7000  }
0xd2: {  	[tilespmem:s2], [sflag:$0x2] =	stream.linear.gather [hbm4b:s0+s2], $0x320, $0x38;
	[tilespmem:$0x19380] =	vst v63  }
0xd3: {  	_ =	swait.ge [sflag:s3], $0x320  }
0xd4: {  	[sflag:s3] =	ssyncset.done $0x0  }
0xd5: {  	[sflag:s3] =	ssyncadd.s32 $0xFFFFFCE0  }
0xd6: {  	[tilespmem:s6], [sflag:$0x1] =	stream.indirect.gather [hbm4b:s4+s5], $0x80, s2, s5, $0xb8;
	[tilespmem:$0x19380] =	vst v63  }
0xd7: {  	_ =	swait.ge [sflag:s7], $0x19000  }
0xd8: {  	[sflag:s7] =	ssyncset.done $0x0  }
0xd9: {  	s0 =	rddreg [dreg:$0x4];
	[sflag:s7] =	ssyncadd.s32 $0xFFFE7000  }
0xda: {  	[hbm4b:s0+s2] =	stream.linear.scatter [tilespmem:s6], [sflag:$0x2], $0x19000, $0x38;
	[tilespmem:$0x19380] =	vst v63  }
0xdb: {  	_ =	swait.ge [sflag:s3], $0x19000  }
0xdc: {  	[sflag:s3] =	ssyncset.done $0x0  }
0xdd: {  	s0 =	rddreg [dreg:$0x5];
	[sflag:s3] =	ssyncadd.s32 $0xFFFE7000  }
0xde: {  	[tilespmem:s2], [sflag:$0x2] =	stream.linear.gather [hbm4b:s0+s2], $0x320, $0x38;
	[tilespmem:$0x19380] =	vst v63  }
0xdf: {  	_ =	swait.ge [sflag:s3], $0x320  }
0xe0: {  	[sflag:s3] =	ssyncset.done $0x0  }
0xe1: {  	[sflag:s3] =	ssyncadd.s32 $0xFFFFFCE0  }
0xe2: {  	[tilespmem:s6], [sflag:$0x1] =	stream.indirect.gather [hbm4b:s4+s5], $0x80, s2, s5, $0xb8;
	[tilespmem:$0x19380] =	vst v63  }
0xe3: {  	_ =	swait.ge [sflag:s7], $0x19000  }
0xe4: {  	[sflag:s7] =	ssyncset.done $0x0  }
0xe5: {  	s0 =	rddreg [dreg:$0x6];
	[sflag:s7] =	ssyncadd.s32 $0xFFFE7000  }
0xe6: {  	[hbm4b:s0+s2] =	stream.linear.scatter [tilespmem:s6], [sflag:$0x2], $0x19000, $0x38;
	[tilespmem:$0x19380] =	vst v63  }
0xe7: {  	_ =	swait.ge [sflag:s3], $0x19000  }
0xe8: {  	[sflag:s3] =	ssyncset.done $0x0  }
0xe9: {  	s0 =	rddreg [dreg:$0x7];
	[sflag:s3] =	ssyncadd.s32 $0xFFFE7000  }
0xea: {  	[tilespmem:s2], [sflag:$0x2] =	stream.linear.gather [hbm4b:s0+s2], $0x320, $0x38;
	[tilespmem:$0x19380] =	vst v63  }
0xeb: {  	_ =	swait.ge [sflag:s3], $0x320  }
0xec: {  	[sflag:s3] =	ssyncset.done $0x0  }
0xed: {  	[sflag:s3] =	ssyncadd.s32 $0xFFFFFCE0  }
0xee: {  	[tilespmem:s6], [sflag:$0x1] =	stream.indirect.gather [hbm4b:s4+s5], $0x80, s2, s5, $0xb8;
	[tilespmem:$0x19380] =	vst v63  }
0xef: {  	_ =	swait.ge [sflag:s7], $0x19000  }
0xf0: {  	[sflag:s7] =	ssyncset.done $0x0  }
0xf1: {  	s0 =	rddreg [dreg:$0x8];
	[sflag:s7] =	ssyncadd.s32 $0xFFFE7000  }
0xf2: {  	[hbm4b:s0+s2] =	stream.linear.scatter [tilespmem:s6], [sflag:$0x2], $0x19000, $0x38;
	[tilespmem:$0x19380] =	vst v63  }
0xf3: {  	_ =	swait.ge [sflag:s3], $0x19000  }
0xf4: {  	[sflag:s3] =	ssyncset.done $0x0  }
0xf5: {  	s0 =	rddreg [dreg:$0x9];
	[sflag:s3] =	ssyncadd.s32 $0xFFFE7000  }
0xf6: {  	[tilespmem:s2], [sflag:$0x2] =	stream.linear.gather [hbm4b:s0+s2], $0x320, $0x38;
	[tilespmem:$0x19380] =	vst v63  }
0xf7: {  	_ =	swait.ge [sflag:s3], $0x320  }
0xf8: {  	[sflag:s3] =	ssyncset.done $0x0  }
0xf9: {  	[sflag:s3] =	ssyncadd.s32 $0xFFFFFCE0  }
0xfa: {  	[tilespmem:s6], [sflag:$0x1] =	stream.indirect.gather [hbm4b:s4+s5], $0x80, s2, s5, $0xb8;
	[tilespmem:$0x19380] =	vst v63  }
0xfb: {  	_ =	swait.ge [sflag:s7], $0x19000  }
0xfc: {  	[sflag:s7] =	ssyncset.done $0x0  }
0xfd: {  	s0 =	rddreg [dreg:$0xa];
	[sflag:s7] =	ssyncadd.s32 $0xFFFE7000  }
0xfe: {  	[hbm4b:s0+s2] =	stream.linear.scatter [tilespmem:s6], [sflag:$0x2], $0x19000, $0x38;
	[tilespmem:$0x19380] =	vst v63  }
0xff: {  	_ =	swait.ge [sflag:s3], $0x19000  }
0x100: {  	[sflag:s3] =	ssyncset.done $0x0  }
0x101: {  	s0 =	rddreg [dreg:$0xb];
	[sflag:s3] =	ssyncadd.s32 $0xFFFE7000  }
0x102: {  	[tilespmem:s2], [sflag:$0x2] =	stream.linear.gather [hbm4b:s0+s2], $0x320, $0x38;
	[tilespmem:$0x19380] =	vst v63  }
0x103: {  	_ =	swait.ge [sflag:s3], $0x320  }
0x104: {  	[sflag:s3] =	ssyncset.done $0x0  }
0x105: {  	[sflag:s3] =	ssyncadd.s32 $0xFFFFFCE0  }
0x106: {  	[tilespmem:s6], [sflag:$0x1] =	stream.indirect.gather [hbm4b:s4+s5], $0x80, s2, s5, $0xb8;
	[tilespmem:$0x19380] =	vst v63  }
0x107: {  	_ =	swait.ge [sflag:s7], $0x19000  }
0x108: {  	[sflag:s7] =	ssyncset.done $0x0  }
0x109: {  	[sflag:s7] =	ssyncadd.s32 $0xFFFE7000  }
0x10a: {  	[hbm4b:s8+s2] =	stream.linear.scatter [tilespmem:s6], [sflag:$0x2], $0x19000, $0x38;
	[tilespmem:$0x19380] =	vst v63  }
0x10b: {  	_ =	swait.ge [sflag:s3], $0x19000  }
0x10c: {  	[sflag:s3] =	ssyncset.done $0x0  }
0x10d: {  	[sflag:s3] =	ssyncadd.s32 $0xFFFE7000  }
0x10e: {  	[tilespmem:s2], [sflag:$0x2] =	stream.linear.gather [hbm4b:s9+s2], $0x320, $0x38;
	[tilespmem:$0x19380] =	vst v63  }
0x10f: {  	_ =	swait.ge [sflag:s3], $0x320  }
0x110: {  	[sflag:s3] =	ssyncset.done $0x0  }
0x111: {  	[sflag:s3] =	ssyncadd.s32 $0xFFFFFCE0  }
0x112: {  	[tilespmem:s6], [sflag:$0x1] =	stream.indirect.gather [hbm4b:s4+s5], $0x80, s2, s5, $0xb8;
	[tilespmem:$0x19380] =	vst v63  }
0x113: {  	_ =	swait.ge [sflag:s7], $0x19000  }
0x114: {  	[sflag:s7] =	ssyncset.done $0x0  }
0x115: {  	[sflag:s7] =	ssyncadd.s32 $0xFFFE7000  }
0x116: {  	[hbm4b:s10+s2] =	stream.linear.scatter [tilespmem:s6], [sflag:$0x2], $0x19000, $0x38;
	[tilespmem:$0x19380] =	vst v63  }
0x117: {  	_ =	swait.ge [sflag:s3], $0x19000  }
0x118: {  	[sflag:s3] =	ssyncset.done $0x0  }
0x119: {  	[sflag:s3] =	ssyncadd.s32 $0xFFFE7000  }
0x11a: {  	[tilespmem:s2], [sflag:$0x2] =	stream.linear.gather [hbm4b:s11+s2], $0x320, $0x38;
	[tilespmem:$0x19380] =	vst v63  }
0x11b: {  	_ =	swait.ge [sflag:s3], $0x320  }
0x11c: {  	[sflag:s3] =	ssyncset.done $0x0  }
0x11d: {  	[sflag:s3] =	ssyncadd.s32 $0xFFFFFCE0  }
0x11e: {  	[tilespmem:s6], [sflag:$0x1] =	stream.indirect.gather [hbm4b:s4+s5], $0x80, s2, s5, $0xb8;
	[tilespmem:$0x19380] =	vst v63  }
0x11f: {  	_ =	swait.ge [sflag:s7], $0x19000  }
0x120: {  	[sflag:s7] =	ssyncset.done $0x0  }
0x121: {  	[sflag:s7] =	ssyncadd.s32 $0xFFFE7000  }
0x122: {  	[hbm4b:s12+s2] =	stream.linear.scatter [tilespmem:s6], [sflag:$0x2], $0x19000, $0x38;
	[tilespmem:$0x19380] =	vst v63  }
0x123: {  	_ =	swait.ge [sflag:s3], $0x19000  }
0x124: {  	[sflag:s3] =	ssyncset.done $0x0  }
0x125: {  	[sflag:s3] =	ssyncadd.s32 $0xFFFE7000  }
0x126: {  	[tilespmem:s2], [sflag:$0x2] =	stream.linear.gather [hbm4b:s13+s2], $0x320, $0x38;
	[tilespmem:$0x19380] =	vst v63  }
0x127: {  	_ =	swait.ge [sflag:s3], $0x320  }
0x128: {  	[sflag:s3] =	ssyncset.done $0x0  }
0x129: {  	[sflag:s3] =	ssyncadd.s32 $0xFFFFFCE0  }
0x12a: {  	[tilespmem:s6], [sflag:$0x1] =	stream.indirect.gather [hbm4b:s4+s5], $0x80, s2, s5, $0xb8;
	[tilespmem:$0x19380] =	vst v63  }
0x12b: {  	_ =	swait.ge [sflag:s7], $0x19000  }
0x12c: {  	[sflag:s7] =	ssyncset.done $0x0  }
0x12d: {  	[sflag:s7] =	ssyncadd.s32 $0xFFFE7000  }
0x12e: {  	[hbm4b:s14+s2] =	stream.linear.scatter [tilespmem:s6], [sflag:$0x2], $0x19000, $0x38;
	[tilespmem:$0x19380] =	vst v63  }
0x12f: {  	_ =	swait.ge [sflag:s3], $0x19000  }
0x130: {  	[sflag:s3] =	ssyncset.done $0x0  }
0x131: {  	[sflag:s3] =	ssyncadd.s32 $0xFFFE7000  }
0x132: {  	[tilespmem:s2], [sflag:$0x2] =	stream.linear.gather [hbm4b:s15+s2], $0x320, $0x38;
	[tilespmem:$0x19380] =	vst v63  }
0x133: {  	_ =	swait.ge [sflag:s3], $0x320  }
0x134: {  	[sflag:s3] =	ssyncset.done $0x0  }
0x135: {  	[sflag:s3] =	ssyncadd.s32 $0xFFFFFCE0  }
0x136: {  	[tilespmem:s6], [sflag:$0x1] =	stream.indirect.gather [hbm4b:s4+s5], $0x80, s2, s5, $0xb8;
	[tilespmem:$0x19380] =	vst v63  }
0x137: {  	_ =	swait.ge [sflag:s7], $0x19000  }
0x138: {  	[sflag:s7] =	ssyncset.done $0x0  }
0x139: {  	[sflag:s7] =	ssyncadd.s32 $0xFFFE7000  }
0x13a: {  	[hbm4b:s16+s2] =	stream.linear.scatter [tilespmem:s6], [sflag:$0x2], $0x19000, $0x38;
	[tilespmem:$0x19380] =	vst v63  }
0x13b: {  	_ =	swait.ge [sflag:s3], $0x19000  }
0x13c: {  	[sflag:s3] =	ssyncset.done $0x0  }
0x13d: {  	[sflag:s3] =	ssyncadd.s32 $0xFFFE7000  }
0x13e: {  	[tilespmem:s2], [sflag:$0x2] =	stream.linear.gather [hbm4b:s17+s2], $0x320, $0x38;
	[tilespmem:$0x19380] =	vst v63  }
0x13f: {  	_ =	swait.ge [sflag:s3], $0x320  }
0x140: {  	[sflag:s3] =	ssyncset.done $0x0  }
0x141: {  	[sflag:s3] =	ssyncadd.s32 $0xFFFFFCE0  }
0x142: {  	[tilespmem:s6], [sflag:$0x1] =	stream.indirect.gather [hbm4b:s4+s5], $0x80, s2, s5, $0xb8;
	[tilespmem:$0x19380] =	vst v63  }
0x143: {  	_ =	swait.ge [sflag:s7], $0x19000  }
0x144: {  	[sflag:s7] =	ssyncset.done $0x0  }
0x145: {  	[sflag:s7] =	ssyncadd.s32 $0xFFFE7000  }
0x146: {  	[hbm4b:s18+s2] =	stream.linear.scatter [tilespmem:s6], [sflag:$0x2], $0x19000, $0x38;
	[tilespmem:$0x19380] =	vst v63  }
0x147: {  	_ =	swait.ge [sflag:s3], $0x19000  }
0x148: {  	[sflag:s3] =	ssyncset.done $0x0  }
0x149: {  	[sflag:s3] =	ssyncadd.s32 $0xFFFE7000  }
0x14a: {  	[tilespmem:s2], [sflag:$0x2] =	stream.linear.gather [hbm4b:s19+s2], $0x320, $0x38;
	[tilespmem:$0x19380] =	vst v63  }
0x14b: {  	_ =	swait.ge [sflag:s3], $0x320  }
0x14c: {  	[sflag:s3] =	ssyncset.done $0x0  }
0x14d: {  	[sflag:s3] =	ssyncadd.s32 $0xFFFFFCE0  }
0x14e: {  	[tilespmem:s6], [sflag:$0x1] =	stream.indirect.gather [hbm4b:s4+s5], $0x80, s2, s5, $0xb8;
	[tilespmem:$0x19380] =	vst v63  }
0x14f: {  	_ =	swait.ge [sflag:s7], $0x19000  }
0x150: {  	[sflag:s7] =	ssyncset.done $0x0  }
0x151: {  	[sflag:s7] =	ssyncadd.s32 $0xFFFE7000  }
0x152: {  	[hbm4b:s20+s2] =	stream.linear.scatter [tilespmem:s6], [sflag:$0x2], $0x19000, $0x38;
	[tilespmem:$0x19380] =	vst v63  }
0x153: {  	_ =	swait.ge [sflag:s3], $0x19000  }
0x154: {  	[sflag:s3] =	ssyncset.done $0x0  }
0x155: {  	[sflag:s3] =	ssyncadd.s32 $0xFFFE7000  }
0x156: {  	[tilespmem:s2], [sflag:$0x2] =	stream.linear.gather [hbm4b:s21+s2], $0x320, $0x38;
	[tilespmem:$0x19380] =	vst v63  }
0x157: {  	_ =	swait.ge [sflag:s3], $0x320  }
0x158: {  	[sflag:s3] =	ssyncset.done $0x0  }
0x159: {  	[sflag:s3] =	ssyncadd.s32 $0xFFFFFCE0  }
0x15a: {  	[tilespmem:s6], [sflag:$0x1] =	stream.indirect.gather [hbm4b:s4+s5], $0x80, s2, s5, $0xb8;
	[tilespmem:$0x19380] =	vst v63  }
0x15b: {  	_ =	swait.ge [sflag:s7], $0x19000  }
0x15c: {  	[sflag:s7] =	ssyncset.done $0x0  }
0x15d: {  	[sflag:s7] =	ssyncadd.s32 $0xFFFE7000  }
0x15e: {  	[hbm4b:s22+s2] =	stream.linear.scatter [tilespmem:s6], [sflag:$0x2], $0x19000, $0x38;
	[tilespmem:$0x19380] =	vst v63  }
0x15f: {  	_ =	swait.ge [sflag:s3], $0x19000  }
0x160: {  	[sflag:s3] =	ssyncset.done $0x0  }
0x161: {  	[sflag:s3] =	ssyncadd.s32 $0xFFFE7000  }
0x162: {  	[tilespmem:s2], [sflag:$0x2] =	stream.linear.gather [hbm4b:s23+s2], $0x320, $0x38;
	[tilespmem:$0x19380] =	vst v63  }
0x163: {  	_ =	swait.ge [sflag:s3], $0x320  }
0x164: {  	[sflag:s3] =	ssyncset.done $0x0  }
0x165: {  	[sflag:s3] =	ssyncadd.s32 $0xFFFFFCE0  }
0x166: {  	[tilespmem:s6], [sflag:$0x1] =	stream.indirect.gather [hbm4b:s4+s5], $0x80, s2, s5, $0xb8;
	[tilespmem:$0x19380] =	vst v63  }
0x167: {  	_ =	swait.ge [sflag:s7], $0x19000  }
0x168: {  	[sflag:s7] =	ssyncset.done $0x0  }
0x169: {  	[sflag:s7] =	ssyncadd.s32 $0xFFFE7000  }
0x16a: {  	[hbm4b:s24+s2] =	stream.linear.scatter [tilespmem:s6], [sflag:$0x2], $0x19000, $0x38;
	[tilespmem:$0x19380] =	vst v63  }
0x16b: {  	_ =	swait.ge [sflag:s3], $0x19000  }
0x16c: {  	[sflag:s3] =	ssyncset.done $0x0  }
0x16d: {  	[sflag:s3] =	ssyncadd.s32 $0xFFFE7000  }
0x16e: {  	[tilespmem:s2], [sflag:$0x2] =	stream.linear.gather [hbm4b:s25+s2], $0x320, $0x38;
	[tilespmem:$0x19380] =	vst v63  }
0x16f: {  	_ =	swait.ge [sflag:s3], $0x320  }
0x170: {  	[sflag:s3] =	ssyncset.done $0x0  }
0x171: {  	[sflag:s3] =	ssyncadd.s32 $0xFFFFFCE0  }
0x172: {  	[tilespmem:s6], [sflag:$0x1] =	stream.indirect.gather [hbm4b:s4+s5], $0x80, s2, s5, $0xb8;
	[tilespmem:$0x19380] =	vst v63  }
0x173: {  	_ =	swait.ge [sflag:s7], $0x19000  }
0x174: {  	[sflag:s7] =	ssyncset.done $0x0  }
0x175: {  	[sflag:s7] =	ssyncadd.s32 $0xFFFE7000  }
0x176: {  	[hbm4b:s26+s2] =	stream.linear.scatter [tilespmem:s6], [sflag:$0x2], $0x19000, $0x38;
	[tilespmem:$0x19380] =	vst v63  }
0x177: {  	_ =	swait.ge [sflag:s3], $0x19000  }
0x178: {  	[sflag:s3] =	ssyncset.done $0x0  }
0x179: {  	[sflag:s3] =	ssyncadd.s32 $0xFFFE7000  }
0x17a: {  	[tilespmem:s2], [sflag:$0x2] =	stream.linear.gather [hbm4b:s28+s2], $0x320, $0x38;
	[tilespmem:$0x19380] =	vst v63  }
0x17b: {  	_ =	swait.ge [sflag:s3], $0x320  }
0x17c: {  	[sflag:s3] =	ssyncset.done $0x0  }
0x17d: {  	[sflag:s3] =	ssyncadd.s32 $0xFFFFFCE0  }
0x17e: {  	[tilespmem:s6], [sflag:$0x1] =	stream.indirect.gather [hbm4b:s4+s5], $0x80, s2, s5, $0xb8;
	[tilespmem:$0x19380] =	vst v63  }
0x17f: {  	_ =	swait.ge [sflag:s7], $0x19000  }
0x180: {  	[sflag:s7] =	ssyncset.done $0x0  }
0x181: {  	[sflag:s7] =	ssyncadd.s32 $0xFFFE7000  }
0x182: {  	[hbm4b:s29+s2] =	stream.linear.scatter [tilespmem:s6], [sflag:$0x2], $0x19000, $0x38;
	[tilespmem:$0x19380] =	vst v63  }
0x183: {  	_ =	swait.ge [sflag:s3], $0x19000  }
0x184: {  	[sflag:s3] =	ssyncset.done $0x0  }
0x185: {  	[sflag:s3] =	ssyncadd.s32 $0xFFFE7000  }
0x186: {  	[tilespmem:s2], [sflag:$0x2] =	stream.linear.gather [hbm4b:s30+s2], $0x320, $0x38;
	[tilespmem:$0x19380] =	vst v63  }
0x187: {  	_ =	swait.ge [sflag:s3], $0x320  }
0x188: {  	[sflag:s3] =	ssyncset.done $0x0  }
0x189: {  	p0 =	sne.s32 s1, $0x1;
	[sflag:s3] =	ssyncadd.s32 $0xFFFFFCE0  }
0x18a: {  	[tilespmem:s6], [sflag:$0x1] =	stream.indirect.gather [hbm4b:s4+s5], $0x80, s2, s5, $0xb8;
	[tilespmem:$0x19380] =	vst v63  }
.Ltmp1:
0x18b: {  	_ =	swait.ge [sflag:s7], $0x19000;
	(pc) =	sbr.rel @p0 .LBB2_1-.Ltmp1, $4  }
0x18c: {  	[sflag:s7] =	ssyncset.done $0x0  }
0x18d: {  	[sflag:s7] =	ssyncadd.s32 $0xFFFE7000  }
0x18e: {  	[hbm4b:s31+s2] =	stream.linear.scatter [tilespmem:s6], [sflag:$0x2], $0x19000, $0x38;
	[tilespmem:$0x19380] =	vst v63  }
0x18f: {  	s1 =	sadd.s32 $0xFFFFFFFF, s1;
	_ =	swait.ge [sflag:s3], $0x19000  }
.LBB2_2:
0x190: {  	[sflag:s3] =	ssyncset.done $0x0  }
0x191: {  	[sflag:s3] =	ssyncadd.s32 $0xFFFE7000  }
0x192: {  	_ =	sfence.sel $0x180000  }
0x193: {  	[bflag:$0x0] =	sbarrier.arrive $0xFFFF  }
0x194: {  	_ =	strace $0x9000004D  }
0x195: {  	s0 =	stileid.u32;
	[bflag:$0x2] =	sbarrier.arrive $0xFFFF  }
0x196: {  	p0 =	sne.s32 s0, $0x0;
	s0 =	rddreg [dreg:$0x2]  }
0x197: {  	s0 =	sadd.s32 @!p0 $0x100000, s0  }
0x198: {  	[sflag:s0] =	ssyncadd.tile.s32 @!p0 $0x1;
	_ =	shalt  }
.Lfunc_end2:
_tile_overlayer_lowered:
.L_overlay_start_2:
0x199: {  	(tag) =	ssettag $0x2  }
0x19a: {  	s0 =	rddreg [dreg:$0x0];
	s2 =	stileid.u32  }
0x19b: {  	s1 =	rddreg [dreg:$0x1];
	p0 =	sne.s32 s2, $0x0  }
0x19c: {  	s3 =	rddreg [dreg:$0x2];
	[bflag:$0x3] =	sbarrier.arrive $0xFFFF;
	s2 =	simm.s32 @!p0 $0x1C02  }
0x19d: {  	[timem:s3], [sflag:s2] =	dma.local @!p0 [hbm:s0], s1  }
0x19e: {  	s0 =	simm.s32 @!p0 $0x2  }
0x19f: {  	_ =	swait.ge @!p0 [sflag:s0], s1  }
0x1a0: {  	s1 =	ssub.s32 @!p0 $0x0, s1;
	[sflag:s0] =	ssyncset.done @!p0 $0x0  }
0x1a1: {  	[sflag:s0] =	ssyncadd.s32 @!p0 s1  }
0x1a2: {  	[bflag:$0x3] =	sbarrier.arrive $0xFFFF  }
0x1a3: {  	_ =	shalt  }

</sc_bundles>
